<compile_context>
chip_gen: v7x
topology: tpu7x:2x2x1
jax: 0.10.2.dev20260603
libtpu: 0.0.44.dev20260713+nightly
codegen_flags: <defaults>
</compile_context>

<pallas_src>
import functools

import numpy as np
import jax
import jax.numpy as jnp
from jax import lax
from jax.experimental import pallas as pl
from jax.experimental.pallas import tpu as pltpu
from jax.experimental.pallas import tpu_sc as plsc

_L = 16
_F = 2
_BASE = 16
_T = 2 ** 19
_BOUND = 11.0
_MLPW = 64
_P1 = int(np.uint32(2654435761).astype(np.int32))
_P2 = 805459861

_NC, _NS, _LANES = 2, 16, 16
_NW = _NC * _NS

_C = 80
_G = _C // _LANES
_R = 8 * _C


def _build_encode(N):
    NCH = N // _C
    TI = (NCH + _NW - 1) // _NW

    mesh = plsc.VectorSubcoreMesh(core_axis_name="c", subcore_axis_name="s",
                                  num_cores=_NC, num_subcores=_NS)

    def body(xt_hbm, tab_hbm, out_hbm, xt_v, idx_v, gat_v, feat_v, sem):
        wid = lax.axis_index("s") * _NC + lax.axis_index("c")
        iot = lax.broadcasted_iota(jnp.int32, (_LANES,), 0)
        i3 = iot * 3
        zer = jnp.zeros((_LANES,), jnp.int32)
        one = jnp.ones((_LANES,), jnp.int32)

        def chunk_body(t, carry):
            ch = wid + t * _NW

            @pl.when(ch < NCH)
            def _():
                base = ch * _C
                pltpu.sync_copy(xt_hbm.at[pl.ds(base * 3, 3 * _C)], xt_v)

                def lvl_idx(l, c0_):
                    res = lax.shift_left(jnp.int32(_BASE), l)
                    res1 = res + 1
                    res1sq = res1 * res1
                    sf = (res - 1).astype(jnp.float32)
                    dense = lax.broadcast(l < 3, (_LANES,))
                    lbase = l * _T

                    def grp(g, c1_):
                        off = g * _LANES
                        c = []
                        for d in range(3):
                            xv = plsc.load_gather(xt_v, [i3 + (off * 3 + d)])
                            xn = jnp.clip((xv + _BOUND) * (0.5 / _BOUND), 0.0, 1.0)
                            pos = xn * sf + 0.5
                            c.append(pos.astype(jnp.int32))
                        m1d = (c[1] * res1, c[1] * res1 + res1)
                        m2d = (c[2] * res1sq, c[2] * res1sq + res1sq)
                        m1h = (c[1] * _P1, c[1] * _P1 + _P1)
                        m2h = (c[2] * _P2, c[2] * _P2 + _P2)
                        for i in (0, 1):
                            a = c[0] + i
                            for j in (0, 1):
                                for k in (0, 1):
                                    n = i * 4 + j * 2 + k
                                    dsum = a + m1d[j] + m2d[k]
                                    hsum = (a ^ m1h[j] ^ m2h[k]) & (_T - 1)
                                    idx = jnp.where(dense, dsum, hsum) + lbase
                                    idx_v[pl.ds(l * _R + n * _C + off, _LANES)] = idx
                        return c1_
                    lax.fori_loop(0, _G, grp, 0)
                    pltpu.async_copy(tab_hbm.at[idx_v.at[pl.ds(l * _R, _R)]],
                                     gat_v.at[pl.ds(l * _R, _R)], sem)
                    return c0_
                lax.fori_loop(0, _L, lvl_idx, 0)

                pltpu.make_async_copy(tab_hbm.at[idx_v], gat_v, sem).wait()

                def lvl_acc(l, c0_):
                    res = lax.shift_left(jnp.int32(_BASE), l)
                    sf = (res - 1).astype(jnp.float32)

                    def grp(g, c1_):
                        off = g * _LANES
                        fr = []
                        for d in range(3):
                            xv = plsc.load_gather(xt_v, [i3 + (off * 3 + d)])
                            xn = jnp.clip((xv + _BOUND) * (0.5 / _BOUND), 0.0, 1.0)
                            pos = xn * sf + 0.5
                            pf = pos.astype(jnp.int32).astype(jnp.float32)
                            fr.append(pos - pf)
                        wx = (1.0 - fr[0], fr[0])
                        wy = (1.0 - fr[1], fr[1])
                        wz = (1.0 - fr[2], fr[2])
                        wyz = [wy[j] * wz[k] for j in (0, 1) for k in (0, 1)]
                        acc0 = jnp.zeros((_LANES,), jnp.float32)
                        acc1 = jnp.zeros((_LANES,), jnp.float32)
                        for i in (0, 1):
                            for j in (0, 1):
                                for k in (0, 1):
                                    n = i * 4 + j * 2 + k
                                    w = wx[i] * wyz[j * 2 + k]
                                    ridx = l * _R + n * _C + off + iot
                                    g0 = plsc.load_gather(gat_v, [ridx, zer])
                                    g1 = plsc.load_gather(gat_v, [ridx, one])
                                    acc0 = acc0 + w * g0
                                    acc1 = acc1 + w * g1
                        sidx = (off + iot) * (_L * _F) + lax.broadcast(2 * l, (_LANES,))
                        plsc.store_scatter(feat_v, [sidx], acc0)
                        plsc.store_scatter(feat_v, [sidx + one], acc1)
                        return c1_
                    lax.fori_loop(0, _G, grp, 0)
                    return c0_
                lax.fori_loop(0, _L, lvl_acc, 0)

                pltpu.sync_copy(feat_v, out_hbm.at[pl.ds(base * (_L * _F), _C * _L * _F)])
            return carry
        lax.fori_loop(0, TI, chunk_body, 0)

    return pl.kernel(
        body,
        out_type=jax.ShapeDtypeStruct((N * _L * _F,), jnp.float32),
        mesh=mesh,
        compiler_params=pltpu.CompilerParams(use_tc_tiling_on_sc=False,
                                             needs_layout_passes=False),
        scratch_types=[
            pltpu.VMEM((3 * _C,), jnp.float32),
            pltpu.VMEM((_L * _R,), jnp.int32),
            pltpu.VMEM((_L * _R, _F), jnp.float32),
            pltpu.VMEM((_C * _L * _F,), jnp.float32),
            pltpu.SemaphoreType.DMA,
        ],
    )


@functools.lru_cache(maxsize=None)
def _get_encode(N):
    return _build_encode(N)


def _mlp(feats, W1, b1, W2, b2, W3, b3):
    N = feats.shape[0]
    BN = 8000
    assert N % BN == 0

    def mlp_body(f_ref, w1, b1r, w2, b2r, w3, b3r, o_ref):
        h = jnp.dot(f_ref[...], w1[...], preferred_element_type=jnp.float32)
        h = jnp.maximum(h + b1r[...], 0.0)
        h = jnp.dot(h, w2[...], preferred_element_type=jnp.float32)
        h = jnp.maximum(h + b2r[...], 0.0)
        o_ref[...] = jnp.dot(h, w3[...], preferred_element_type=jnp.float32) + b3r[...]

    return pl.pallas_call(
        mlp_body,
        grid=(N // BN,),
        in_specs=[
            pl.BlockSpec((BN, _L * _F), lambda i: (i, 0)),
            pl.BlockSpec((_L * _F, _MLPW), lambda i: (0, 0)),
            pl.BlockSpec((1, _MLPW), lambda i: (0, 0)),
            pl.BlockSpec((_MLPW, _MLPW), lambda i: (0, 0)),
            pl.BlockSpec((1, _MLPW), lambda i: (0, 0)),
            pl.BlockSpec((_MLPW, 1), lambda i: (0, 0)),
            pl.BlockSpec((1, 1), lambda i: (0, 0)),
        ],
        out_specs=pl.BlockSpec((BN, 1), lambda i: (i, 0)),
        out_shape=jax.ShapeDtypeStruct((N, 1), jnp.float32),
    )(feats, W1, b1.reshape(1, _MLPW), W2, b2.reshape(1, _MLPW),
      W3, b3.reshape(1, 1))


def kernel(x, table, W1, b1, W2, b2, W3, b3):
    N = x.shape[0]
    xt = x.reshape(3 * N)
    tab2 = table.reshape(_L * _T, _F)
    feats = _get_encode(N)(xt, tab2).reshape(N, _L * _F)
    return _mlp(feats, W1, b1, W2, b2, W3, b3)

# --- scband reference (transcript-rebuilt; emitter-appended) ---
"""Pipeline reference for scband-grid-surface-model-15917148799093 (READ-ONLY COPY).

The authoritative reference and input builder live on the scoring server;
editing this copy changes nothing except your own understanding.
"""

import jax, jax.numpy as jnp
import numpy as np

L = 16
F = 2
BASE_RES = 16
SCALE = 2.0
T = 2 ** 19
BOUND = 11.0
MLP_W = 64
N = 1000000
_OFFS = np.array([[i, j, k] for i in (0, 1) for j in (0, 1) for k in (0, 1)], dtype=np.int32)
_PRIMES = np.array([1, 2654435761, 805459861], dtype=np.uint32)


def setup_inputs(seed: int = 0):
    key = jax.random.key(seed)
    ks = jax.random.split(key, 8)
    x = jax.random.uniform(ks[0], (N, 3), dtype=jnp.float32, minval=-BOUND, maxval=BOUND)
    table = jax.random.uniform(ks[1], (L, T, F), dtype=jnp.float32, minval=-1e-4, maxval=1e-4)
    W1 = jax.random.normal(ks[2], (L * F, MLP_W), dtype=jnp.float32) / np.sqrt(L * F)
    b1 = jnp.zeros((MLP_W,), jnp.float32)
    W2 = jax.random.normal(ks[3], (MLP_W, MLP_W), dtype=jnp.float32) / np.sqrt(MLP_W)
    b2 = jnp.zeros((MLP_W,), jnp.float32)
    W3 = jax.random.normal(ks[4], (MLP_W, 1), dtype=jnp.float32) / np.sqrt(MLP_W)
    b3 = jnp.zeros((1,), jnp.float32)
    return {"x": x, "table": table, "W1": W1, "b1": b1, "W2": W2, "b2": b2, "W3": W3, "b3": b3}


def _hash(coords):
    c = coords.astype(jnp.uint32)
    h = c[..., 0] * _PRIMES[0] ^ c[..., 1] * _PRIMES[1] ^ c[..., 2] * _PRIMES[2]
    return (h % np.uint32(T)).astype(jnp.int32)


def _grid_encode(x, table):
    # normalize to [0, 1] given bound, as in GridEncoder.forward(x, bound)
    xn = jnp.clip((x + BOUND) / (2.0 * BOUND), 0.0, 1.0)
    offs = jnp.asarray(_OFFS)
    feats = []
    for l in range(L):
        s = BASE_RES * (SCALE ** l) - 1.0
        res = int(np.ceil(s)) + 1
        # align_corners=False -> +0.5 offset (torch-ngp convention)
        pos = xn * s + 0.5
        pos_f = jnp.floor(pos)
        frac = pos - pos_f
        corners = pos_f.astype(jnp.int32)[:, None, :] + offs[None, :, :]  # [N, 8, 3]
        if (res + 1) ** 3 <= T:
            # tiled (dense) indexing when the level grid fits in the hashmap
            idx = corners[..., 0] + corners[..., 1] * (res + 1) + corners[..., 2] * ((res + 1) ** 2)
        else:
            idx = _hash(corners)
        emb = jnp.take(table[l], idx, axis=0)  # [N, 8, F] gather from hash table
        w = jnp.prod(jnp.where(offs[None, :, :] == 1, frac[:, None, :], 1.0 - frac[:, None, :]), axis=-1)  # [N, 8]
        feats.append(jnp.sum(emb * w[..., None], axis=1))  # trilinear interp -> [N, F]
    return jnp.concatenate(feats, axis=-1)  # [N, 32]


def reference(x, table, W1, b1, W2, b2, W3, b3):
    h = _grid_encode(x, table)
    h = jax.nn.relu(h @ W1 + b1)
    h = jax.nn.relu(h @ W2 + b2)
    return h @ W3 + b3

if __name__ == "__main__":
    import jax
    _d = setup_inputs()
    print(jax.jit(kernel)(*tuple(_d.values())))

</pallas_src>

<mosaic_0001>
#map = affine_map<(d0, d1) -> (0)>
#map1 = affine_map<(d0, d1) -> (0, 0)>
module attributes {stable_mosaic.version = 14 : i64} {
  func.func @body(%arg0: i32, %arg1: i32, %arg2: memref<3000000xf32, #tpu.memory_space<hbm>>, %arg3: memref<8388608x2xf32, #tpu.memory_space<hbm>>, %arg4: memref<32000000xf32, #tpu.memory_space<hbm>>, %arg5: memref<240xf32, #tpu.memory_space<vmem>>, %arg6: memref<10240xi32, #tpu.memory_space<vmem>>, %arg7: memref<10240x2xf32, #tpu.memory_space<vmem>>, %arg8: memref<2560xf32, #tpu.memory_space<vmem>>, %arg9: memref<!tpu.dma_semaphore, #tpu.memory_space<semaphore_mem>>) attributes {dimension_semantics = [#tpu.dimension_semantics<core_parallel>, #tpu.dimension_semantics<subcore_parallel>], iteration_bounds = array<i64: 2, 16>, scalar_prefetch = 0 : i64, scratch_operands = 5 : i64, tpu.core_type = #tpu.core_type<sc_vector_subcore>, window_params = [{transform_indices = #map}, {transform_indices = #map1}, {transform_indices = #map}]} {
    %mul3A = arith.constant 2 : i32
    %mul3A_0 = arith.muli %arg1, %mul3A : i32
    %add3A = arith.addi %mul3A_0, %arg0 : i32
    %iota3A = tpu.iota {dimensions = array<i32: 0>} : vector<16xi32>
    %mul3A_1 = arith.constant 3 : i32
    %mul3A_2 = vector.broadcast %mul3A_1 : i32 to vector<16xi32>
    %mul3A_3 = arith.muli %iota3A, %mul3A_2 : vector<16xi32>
    %broadcast_in_dim3A = arith.constant 0 : i32
    %broadcast_in_dim3A_4 = vector.broadcast %broadcast_in_dim3A : i32 to vector<16xi32>
    %broadcast_in_dim3A_5 = arith.constant 1 : i32
    %broadcast_in_dim3A_6 = vector.broadcast %broadcast_in_dim3A_5 : i32 to vector<16xi32>
    %scan3A = arith.constant 0 : i32
    %scan3A_7 = arith.constant 0 : i32
    %scan3A_8 = arith.constant 391 : i32
    %scan3A_9 = arith.addi %scan3A_7, %scan3A_8 : i32
    %scan3A_10 = arith.constant 1 : i32
    scf.for %scan3A_12 = %scan3A_7 to %scan3A_9 step %scan3A_10  : i32 {
      %mul3A_13 = arith.constant 32 : i32
      %mul3A_14 = arith.muli %scan3A_12, %mul3A_13 : i32
      %add3A_15 = arith.addi %add3A, %mul3A_14 : i32
      %lt3A = arith.constant 12500 : i32
      %lt3A_16 = arith.cmpi slt, %add3A_15, %lt3A : i32
      %convert_element_type3A = arith.extui %lt3A_16 : i1 to i32
      %cond3A = arith.constant 0 : i32
      %cond3A_17 = arith.cmpi ne, %convert_element_type3A, %cond3A : i32
      scf.if %cond3A_17 {
        %mul3A_18 = arith.constant 80 : i32
        %mul3A_19 = arith.muli %add3A_15, %mul3A_18 : i32
        %mul3A_20 = arith.constant 3 : i32
        %mul3A_21 = arith.muli %mul3A_19, %mul3A_20 : i32
        "tpu.region"() ({
          %run_scoped3A = tpu.sem_alloc : memref<!tpu.dma_semaphore, #tpu.memory_space<semaphore_mem>>
          %dma_start3A = tpu.memref_slice %arg2[%mul3A_21] : memref<3000000xf32, #tpu.memory_space<hbm>> -> memref<240xf32, #tpu.memory_space<hbm>>
          %dma_start3A_38 = tpu.memref_slice %arg2[%mul3A_21] : memref<3000000xf32, #tpu.memory_space<hbm>> -> memref<240xf32, #tpu.memory_space<hbm>>
          tpu.enqueue_dma source(%dma_start3A_38 : memref<240xf32, #tpu.memory_space<hbm>>) target(%arg5 : memref<240xf32, #tpu.memory_space<vmem>>) target_semaphore(%run_scoped3A : memref<!tpu.dma_semaphore, #tpu.memory_space<semaphore_mem>>)
          %dma_wait3A_39 = tpu.memref_slice %arg2[%mul3A_21] : memref<3000000xf32, #tpu.memory_space<hbm>> -> memref<240xf32, #tpu.memory_space<hbm>>
          %dma_wait3A_40 = tpu.memref_slice %arg2[%mul3A_21] : memref<3000000xf32, #tpu.memory_space<hbm>> -> memref<240xf32, #tpu.memory_space<hbm>>
          tpu.wait_dma2 semaphore(%run_scoped3A : memref<!tpu.dma_semaphore, #tpu.memory_space<semaphore_mem>>) src(%dma_wait3A_40 : memref<240xf32, #tpu.memory_space<hbm>>) dst(%arg5 : memref<240xf32, #tpu.memory_space<vmem>>)
          tpu.yield
        }) : () -> ()
        %scan3A_22 = arith.constant 0 : i32
        %scan3A_23 = arith.constant 0 : i32
        %scan3A_24 = arith.constant 16 : i32
        %scan3A_25 = arith.addi %scan3A_23, %scan3A_24 : i32
        %scan3A_26 = arith.constant 1 : i32
        scf.for %scan3A_38 = %scan3A_23 to %scan3A_25 step %scan3A_26  : i32 {
          %shift_left3A = arith.constant 16 : i32
          %shift_left3A_39 = arith.shli %shift_left3A, %scan3A_38 : i32
          %add3A_40 = arith.constant 1 : i32
          %add3A_41 = arith.addi %shift_left3A_39, %add3A_40 : i32
          %mul3A_42 = arith.muli %add3A_41, %add3A_41 : i32
          %sub3A = arith.constant 1 : i32
          %sub3A_43 = arith.subi %shift_left3A_39, %sub3A : i32
          %convert_element_type3A_44 = arith.sitofp %sub3A_43 : i32 to f32
          %lt3A_45 = arith.constant 3 : i32
          %lt3A_46 = arith.cmpi slt, %scan3A_38, %lt3A_45 : i32
          %broadcast_in_dim3A_47 = vector.broadcast %lt3A_46 : i1 to vector<16xi1>
          %mul3A_48 = arith.constant 524288 : i32
          %mul3A_49 = arith.muli %scan3A_38, %mul3A_48 : i32
          %scan3A_50 = arith.constant 0 : i32
          %scan3A_51 = arith.constant 0 : i32
          %scan3A_52 = arith.constant 5 : i32
          %scan3A_53 = arith.addi %scan3A_51, %scan3A_52 : i32
          %scan3A_54 = arith.constant 1 : i32
          scf.for %scan3A_65 = %scan3A_51 to %scan3A_53 step %scan3A_54  : i32 {
            %mul3A_66 = arith.constant 16 : i32
            %mul3A_67 = arith.muli %scan3A_65, %mul3A_66 : i32
            %mul3A_68 = arith.constant 3 : i32
            %mul3A_69 = arith.muli %mul3A_67, %mul3A_68 : i32
            %add3A_70 = arith.constant 0 : i32
            %add3A_71 = arith.addi %mul3A_69, %add3A_70 : i32
            %add3A_72 = vector.broadcast %add3A_71 : i32 to vector<16xi32>
            %add3A_73 = arith.addi %mul3A_3, %add3A_72 : vector<16xi32>
            %gather3A = tpu.vector_load_idx %arg5[%add3A_73] : memref<240xf32, #tpu.memory_space<vmem>>[vector<16xi32>], vector<16xf32>,
            %add3A_74 = arith.constant 1.100000e+01 : f32
            %add3A_75 = vector.broadcast %add3A_74 : f32 to vector<16xf32>
            %add3A_76 = arith.addf %gather3A, %add3A_75 : vector<16xf32>
            %mul3A_77 = arith.constant 0.0454545468 : f32
            %mul3A_78 = vector.broadcast %mul3A_77 : f32 to vector<16xf32>
            %mul3A_79 = arith.mulf %add3A_76, %mul3A_78 : vector<16xf32>
            %jit3A = arith.constant 0.000000e+00 : f32
            %jit3A_80 = arith.constant 1.000000e+00 : f32
            %max3A = vector.broadcast %jit3A : f32 to vector<16xf32>
            %max3A_81 = arith.maximumf %max3A, %mul3A_79 : vector<16xf32>
            %min3A = vector.broadcast %jit3A_80 : f32 to vector<16xf32>
            %min3A_82 = arith.minimumf %min3A, %max3A_81 : vector<16xf32>
            %mul3A_83 = vector.broadcast %convert_element_type3A_44 : f32 to vector<16xf32>
            %mul3A_84 = arith.mulf %min3A_82, %mul3A_83 : vector<16xf32>
            %add3A_85 = arith.constant 5.000000e-01 : f32
            %add3A_86 = vector.broadcast %add3A_85 : f32 to vector<16xf32>
            %add3A_87 = arith.addf %mul3A_84, %add3A_86 : vector<16xf32>
            %convert_element_type3A_88 = arith.fptosi %add3A_87 : vector<16xf32> to vector<16xi32>
            %mul3A_89 = arith.constant 3 : i32
            %mul3A_90 = arith.muli %mul3A_67, %mul3A_89 : i32
            %add3A_91 = arith.constant 1 : i32
            %add3A_92 = arith.addi %mul3A_90, %add3A_91 : i32
            %add3A_93 = vector.broadcast %add3A_92 : i32 to vector<16xi32>
            %add3A_94 = arith.addi %mul3A_3, %add3A_93 : vector<16xi32>
            %gather3A_95 = tpu.vector_load_idx %arg5[%add3A_94] : memref<240xf32, #tpu.memory_space<vmem>>[vector<16xi32>], vector<16xf32>,
            %add3A_96 = arith.constant 1.100000e+01 : f32
            %add3A_97 = vector.broadcast %add3A_96 : f32 to vector<16xf32>
            %add3A_98 = arith.addf %gather3A_95, %add3A_97 : vector<16xf32>
            %mul3A_99 = arith.constant 0.0454545468 : f32
            %mul3A_100 = vector.broadcast %mul3A_99 : f32 to vector<16xf32>
            %mul3A_101 = arith.mulf %add3A_98, %mul3A_100 : vector<16xf32>
            %jit3A_102 = arith.constant 0.000000e+00 : f32
            %jit3A_103 = arith.constant 1.000000e+00 : f32
            %max3A_104 = vector.broadcast %jit3A_102 : f32 to vector<16xf32>
            %max3A_105 = arith.maximumf %max3A_104, %mul3A_101 : vector<16xf32>
            %min3A_106 = vector.broadcast %jit3A_103 : f32 to vector<16xf32>
            %min3A_107 = arith.minimumf %min3A_106, %max3A_105 : vector<16xf32>
            %mul3A_108 = vector.broadcast %convert_element_type3A_44 : f32 to vector<16xf32>
            %mul3A_109 = arith.mulf %min3A_107, %mul3A_108 : vector<16xf32>
            %add3A_110 = arith.constant 5.000000e-01 : f32
            %add3A_111 = vector.broadcast %add3A_110 : f32 to vector<16xf32>
            %add3A_112 = arith.addf %mul3A_109, %add3A_111 : vector<16xf32>
            %convert_element_type3A_113 = arith.fptosi %add3A_112 : vector<16xf32> to vector<16xi32>
            %mul3A_114 = arith.constant 3 : i32
            %mul3A_115 = arith.muli %mul3A_67, %mul3A_114 : i32
            %add3A_116 = arith.constant 2 : i32
            %add3A_117 = arith.addi %mul3A_115, %add3A_116 : i32
            %add3A_118 = vector.broadcast %add3A_117 : i32 to vector<16xi32>
            %add3A_119 = arith.addi %mul3A_3, %add3A_118 : vector<16xi32>
            %gather3A_120 = tpu.vector_load_idx %arg5[%add3A_119] : memref<240xf32, #tpu.memory_space<vmem>>[vector<16xi32>], vector<16xf32>,
            %add3A_121 = arith.constant 1.100000e+01 : f32
            %add3A_122 = vector.broadcast %add3A_121 : f32 to vector<16xf32>
            %add3A_123 = arith.addf %gather3A_120, %add3A_122 : vector<16xf32>
            %mul3A_124 = arith.constant 0.0454545468 : f32
            %mul3A_125 = vector.broadcast %mul3A_124 : f32 to vector<16xf32>
            %mul3A_126 = arith.mulf %add3A_123, %mul3A_125 : vector<16xf32>
            %jit3A_127 = arith.constant 0.000000e+00 : f32
            %jit3A_128 = arith.constant 1.000000e+00 : f32
            %max3A_129 = vector.broadcast %jit3A_127 : f32 to vector<16xf32>
            %max3A_130 = arith.maximumf %max3A_129, %mul3A_126 : vector<16xf32>
            %min3A_131 = vector.broadcast %jit3A_128 : f32 to vector<16xf32>
            %min3A_132 = arith.minimumf %min3A_131, %max3A_130 : vector<16xf32>
            %mul3A_133 = vector.broadcast %convert_element_type3A_44 : f32 to vector<16xf32>
            %mul3A_134 = arith.mulf %min3A_132, %mul3A_133 : vector<16xf32>
            %add3A_135 = arith.constant 5.000000e-01 : f32
            %add3A_136 = vector.broadcast %add3A_135 : f32 to vector<16xf32>
            %add3A_137 = arith.addf %mul3A_134, %add3A_136 : vector<16xf32>
            %convert_element_type3A_138 = arith.fptosi %add3A_137 : vector<16xf32> to vector<16xi32>
            %mul3A_139 = vector.broadcast %add3A_41 : i32 to vector<16xi32>
            %mul3A_140 = arith.muli %convert_element_type3A_113, %mul3A_139 : vector<16xi32>
            %mul3A_141 = vector.broadcast %add3A_41 : i32 to vector<16xi32>
            %mul3A_142 = arith.muli %convert_element_type3A_113, %mul3A_141 : vector<16xi32>
            %add3A_143 = vector.broadcast %add3A_41 : i32 to vector<16xi32>
            %add3A_144 = arith.addi %mul3A_142, %add3A_143 : vector<16xi32>
            %mul3A_145 = vector.broadcast %mul3A_42 : i32 to vector<16xi32>
            %mul3A_146 = arith.muli %convert_element_type3A_138, %mul3A_145 : vector<16xi32>
            %mul3A_147 = vector.broadcast %mul3A_42 : i32 to vector<16xi32>
            %mul3A_148 = arith.muli %convert_element_type3A_138, %mul3A_147 : vector<16xi32>
            %add3A_149 = vector.broadcast %mul3A_42 : i32 to vector<16xi32>
            %add3A_150 = arith.addi %mul3A_148, %add3A_149 : vector<16xi32>
            %mul3A_151 = arith.constant -1640531535 : i32
            %mul3A_152 = vector.broadcast %mul3A_151 : i32 to vector<16xi32>
            %mul3A_153 = arith.muli %convert_element_type3A_113, %mul3A_152 : vector<16xi32>
            %mul3A_154 = arith.constant -1640531535 : i32
            %mul3A_155 = vector.broadcast %mul3A_154 : i32 to vector<16xi32>
            %mul3A_156 = arith.muli %convert_element_type3A_113, %mul3A_155 : vector<16xi32>
            %add3A_157 = arith.constant -1640531535 : i32
            %add3A_158 = vector.broadcast %add3A_157 : i32 to vector<16xi32>
            %add3A_159 = arith.addi %mul3A_156, %add3A_158 : vector<16xi32>
            %mul3A_160 = arith.constant 805459861 : i32
            %mul3A_161 = vector.broadcast %mul3A_160 : i32 to vector<16xi32>
            %mul3A_162 = arith.muli %convert_element_type3A_138, %mul3A_161 : vector<16xi32>
            %mul3A_163 = arith.constant 805459861 : i32
            %mul3A_164 = vector.broadcast %mul3A_163 : i32 to vector<16xi32>
            %mul3A_165 = arith.muli %convert_element_type3A_138, %mul3A_164 : vector<16xi32>
            %add3A_166 = arith.constant 805459861 : i32
            %add3A_167 = vector.broadcast %add3A_166 : i32 to vector<16xi32>
            %add3A_168 = arith.addi %mul3A_165, %add3A_167 : vector<16xi32>
            %add3A_169 = arith.constant 0 : i32
            %add3A_170 = vector.broadcast %add3A_169 : i32 to vector<16xi32>
            %add3A_171 = arith.addi %convert_element_type3A_88, %add3A_170 : vector<16xi32>
            %add3A_172 = arith.addi %add3A_171, %mul3A_140 : vector<16xi32>
            %add3A_173 = arith.addi %add3A_172, %mul3A_146 : vector<16xi32>
            %xor3A = arith.xori %add3A_171, %mul3A_153 : vector<16xi32>
            %xor3A_174 = arith.xori %xor3A, %mul3A_162 : vector<16xi32>
            %and3A = arith.constant 524287 : i32
            %and3A_175 = vector.broadcast %and3A : i32 to vector<16xi32>
            %and3A_176 = arith.andi %xor3A_174, %and3A_175 : vector<16xi32>
            %select_n3A = arith.select %broadcast_in_dim3A_47, %add3A_173, %and3A_176 : vector<16xi1>, vector<16xi32>
            %add3A_177 = vector.broadcast %mul3A_49 : i32 to vector<16xi32>
            %add3A_178 = arith.addi %select_n3A, %add3A_177 : vector<16xi32>
            %mul3A_179 = arith.constant 640 : i32
            %mul3A_180 = arith.muli %scan3A_38, %mul3A_179 : i32
            %add3A_181 = arith.constant 0 : i32
            %add3A_182 = arith.addi %mul3A_180, %add3A_181 : i32
            %add3A_183 = arith.addi %add3A_182, %mul3A_67 : i32
            %swap3A = arith.index_cast %add3A_183 : i32 to index
            %swap3A_184 = tpu.vector_load %arg6[%swap3A] {strides = array<i32>} : memref<10240xi32, #tpu.memory_space<vmem>>, vector<16xi32>,
            tpu.vector_store %arg6[%swap3A], %add3A_178 {strides = array<i32>} : memref<10240xi32, #tpu.memory_space<vmem>>, vector<16xi32>,
            %add3A_185 = arith.addi %add3A_171, %mul3A_140 : vector<16xi32>
            %add3A_186 = arith.addi %add3A_185, %add3A_150 : vector<16xi32>
            %xor3A_187 = arith.xori %add3A_171, %mul3A_153 : vector<16xi32>
            %xor3A_188 = arith.xori %xor3A_187, %add3A_168 : vector<16xi32>
            %and3A_189 = arith.constant 524287 : i32
            %and3A_190 = vector.broadcast %and3A_189 : i32 to vector<16xi32>
            %and3A_191 = arith.andi %xor3A_188, %and3A_190 : vector<16xi32>
            %select_n3A_192 = arith.select %broadcast_in_dim3A_47, %add3A_186, %and3A_191 : vector<16xi1>, vector<16xi32>
            %add3A_193 = vector.broadcast %mul3A_49 : i32 to vector<16xi32>
            %add3A_194 = arith.addi %select_n3A_192, %add3A_193 : vector<16xi32>
            %mul3A_195 = arith.constant 640 : i32
            %mul3A_196 = arith.muli %scan3A_38, %mul3A_195 : i32
            %add3A_197 = arith.constant 80 : i32
            %add3A_198 = arith.addi %mul3A_196, %add3A_197 : i32
            %add3A_199 = arith.addi %add3A_198, %mul3A_67 : i32
            %swap3A_200 = arith.index_cast %add3A_199 : i32 to index
            %swap3A_201 = tpu.vector_load %arg6[%swap3A_200] {strides = array<i32>} : memref<10240xi32, #tpu.memory_space<vmem>>, vector<16xi32>,
            tpu.vector_store %arg6[%swap3A_200], %add3A_194 {strides = array<i32>} : memref<10240xi32, #tpu.memory_space<vmem>>, vector<16xi32>,
            %add3A_202 = arith.addi %add3A_171, %add3A_144 : vector<16xi32>
            %add3A_203 = arith.addi %add3A_202, %mul3A_146 : vector<16xi32>
            %xor3A_204 = arith.xori %add3A_171, %add3A_159 : vector<16xi32>
            %xor3A_205 = arith.xori %xor3A_204, %mul3A_162 : vector<16xi32>
            %and3A_206 = arith.constant 524287 : i32
            %and3A_207 = vector.broadcast %and3A_206 : i32 to vector<16xi32>
            %and3A_208 = arith.andi %xor3A_205, %and3A_207 : vector<16xi32>
            %select_n3A_209 = arith.select %broadcast_in_dim3A_47, %add3A_203, %and3A_208 : vector<16xi1>, vector<16xi32>
            %add3A_210 = vector.broadcast %mul3A_49 : i32 to vector<16xi32>
            %add3A_211 = arith.addi %select_n3A_209, %add3A_210 : vector<16xi32>
            %mul3A_212 = arith.constant 640 : i32
            %mul3A_213 = arith.muli %scan3A_38, %mul3A_212 : i32
            %add3A_214 = arith.constant 160 : i32
            %add3A_215 = arith.addi %mul3A_213, %add3A_214 : i32
            %add3A_216 = arith.addi %add3A_215, %mul3A_67 : i32
            %swap3A_217 = arith.index_cast %add3A_216 : i32 to index
            %swap3A_218 = tpu.vector_load %arg6[%swap3A_217] {strides = array<i32>} : memref<10240xi32, #tpu.memory_space<vmem>>, vector<16xi32>,
            tpu.vector_store %arg6[%swap3A_217], %add3A_211 {strides = array<i32>} : memref<10240xi32, #tpu.memory_space<vmem>>, vector<16xi32>,
            %add3A_219 = arith.addi %add3A_171, %add3A_144 : vector<16xi32>
            %add3A_220 = arith.addi %add3A_219, %add3A_150 : vector<16xi32>
            %xor3A_221 = arith.xori %add3A_171, %add3A_159 : vector<16xi32>
            %xor3A_222 = arith.xori %xor3A_221, %add3A_168 : vector<16xi32>
            %and3A_223 = arith.constant 524287 : i32
            %and3A_224 = vector.broadcast %and3A_223 : i32 to vector<16xi32>
            %and3A_225 = arith.andi %xor3A_222, %and3A_224 : vector<16xi32>
            %select_n3A_226 = arith.select %broadcast_in_dim3A_47, %add3A_220, %and3A_225 : vector<16xi1>, vector<16xi32>
            %add3A_227 = vector.broadcast %mul3A_49 : i32 to vector<16xi32>
            %add3A_228 = arith.addi %select_n3A_226, %add3A_227 : vector<16xi32>
            %mul3A_229 = arith.constant 640 : i32
            %mul3A_230 = arith.muli %scan3A_38, %mul3A_229 : i32
            %add3A_231 = arith.constant 240 : i32
            %add3A_232 = arith.addi %mul3A_230, %add3A_231 : i32
            %add3A_233 = arith.addi %add3A_232, %mul3A_67 : i32
            %swap3A_234 = arith.index_cast %add3A_233 : i32 to index
            %swap3A_235 = tpu.vector_load %arg6[%swap3A_234] {strides = array<i32>} : memref<10240xi32, #tpu.memory_space<vmem>>, vector<16xi32>,
            tpu.vector_store %arg6[%swap3A_234], %add3A_228 {strides = array<i32>} : memref<10240xi32, #tpu.memory_space<vmem>>, vector<16xi32>,
            %add3A_236 = arith.constant 1 : i32
            %add3A_237 = vector.broadcast %add3A_236 : i32 to vector<16xi32>
            %add3A_238 = arith.addi %convert_element_type3A_88, %add3A_237 : vector<16xi32>
            %add3A_239 = arith.addi %add3A_238, %mul3A_140 : vector<16xi32>
            %add3A_240 = arith.addi %add3A_239, %mul3A_146 : vector<16xi32>
            %xor3A_241 = arith.xori %add3A_238, %mul3A_153 : vector<16xi32>
            %xor3A_242 = arith.xori %xor3A_241, %mul3A_162 : vector<16xi32>
            %and3A_243 = arith.constant 524287 : i32
            %and3A_244 = vector.broadcast %and3A_243 : i32 to vector<16xi32>
            %and3A_245 = arith.andi %xor3A_242, %and3A_244 : vector<16xi32>
            %select_n3A_246 = arith.select %broadcast_in_dim3A_47, %add3A_240, %and3A_245 : vector<16xi1>, vector<16xi32>
            %add3A_247 = vector.broadcast %mul3A_49 : i32 to vector<16xi32>
            %add3A_248 = arith.addi %select_n3A_246, %add3A_247 : vector<16xi32>
            %mul3A_249 = arith.constant 640 : i32
            %mul3A_250 = arith.muli %scan3A_38, %mul3A_249 : i32
            %add3A_251 = arith.constant 320 : i32
            %add3A_252 = arith.addi %mul3A_250, %add3A_251 : i32
            %add3A_253 = arith.addi %add3A_252, %mul3A_67 : i32
            %swap3A_254 = arith.index_cast %add3A_253 : i32 to index
            %swap3A_255 = tpu.vector_load %arg6[%swap3A_254] {strides = array<i32>} : memref<10240xi32, #tpu.memory_space<vmem>>, vector<16xi32>,
            tpu.vector_store %arg6[%swap3A_254], %add3A_248 {strides = array<i32>} : memref<10240xi32, #tpu.memory_space<vmem>>, vector<16xi32>,
            %add3A_256 = arith.addi %add3A_238, %mul3A_140 : vector<16xi32>
            %add3A_257 = arith.addi %add3A_256, %add3A_150 : vector<16xi32>
            %xor3A_258 = arith.xori %add3A_238, %mul3A_153 : vector<16xi32>
            %xor3A_259 = arith.xori %xor3A_258, %add3A_168 : vector<16xi32>
            %and3A_260 = arith.constant 524287 : i32
            %and3A_261 = vector.broadcast %and3A_260 : i32 to vector<16xi32>
            %and3A_262 = arith.andi %xor3A_259, %and3A_261 : vector<16xi32>
            %select_n3A_263 = arith.select %broadcast_in_dim3A_47, %add3A_257, %and3A_262 : vector<16xi1>, vector<16xi32>
            %add3A_264 = vector.broadcast %mul3A_49 : i32 to vector<16xi32>
            %add3A_265 = arith.addi %select_n3A_263, %add3A_264 : vector<16xi32>
            %mul3A_266 = arith.constant 640 : i32
            %mul3A_267 = arith.muli %scan3A_38, %mul3A_266 : i32
            %add3A_268 = arith.constant 400 : i32
            %add3A_269 = arith.addi %mul3A_267, %add3A_268 : i32
            %add3A_270 = arith.addi %add3A_269, %mul3A_67 : i32
            %swap3A_271 = arith.index_cast %add3A_270 : i32 to index
            %swap3A_272 = tpu.vector_load %arg6[%swap3A_271] {strides = array<i32>} : memref<10240xi32, #tpu.memory_space<vmem>>, vector<16xi32>,
            tpu.vector_store %arg6[%swap3A_271], %add3A_265 {strides = array<i32>} : memref<10240xi32, #tpu.memory_space<vmem>>, vector<16xi32>,
            %add3A_273 = arith.addi %add3A_238, %add3A_144 : vector<16xi32>
            %add3A_274 = arith.addi %add3A_273, %mul3A_146 : vector<16xi32>
            %xor3A_275 = arith.xori %add3A_238, %add3A_159 : vector<16xi32>
            %xor3A_276 = arith.xori %xor3A_275, %mul3A_162 : vector<16xi32>
            %and3A_277 = arith.constant 524287 : i32
            %and3A_278 = vector.broadcast %and3A_277 : i32 to vector<16xi32>
            %and3A_279 = arith.andi %xor3A_276, %and3A_278 : vector<16xi32>
            %select_n3A_280 = arith.select %broadcast_in_dim3A_47, %add3A_274, %and3A_279 : vector<16xi1>, vector<16xi32>
            %add3A_281 = vector.broadcast %mul3A_49 : i32 to vector<16xi32>
            %add3A_282 = arith.addi %select_n3A_280, %add3A_281 : vector<16xi32>
            %mul3A_283 = arith.constant 640 : i32
            %mul3A_284 = arith.muli %scan3A_38, %mul3A_283 : i32
            %add3A_285 = arith.constant 480 : i32
            %add3A_286 = arith.addi %mul3A_284, %add3A_285 : i32
            %add3A_287 = arith.addi %add3A_286, %mul3A_67 : i32
            %swap3A_288 = arith.index_cast %add3A_287 : i32 to index
            %swap3A_289 = tpu.vector_load %arg6[%swap3A_288] {strides = array<i32>} : memref<10240xi32, #tpu.memory_space<vmem>>, vector<16xi32>,
            tpu.vector_store %arg6[%swap3A_288], %add3A_282 {strides = array<i32>} : memref<10240xi32, #tpu.memory_space<vmem>>, vector<16xi32>,
            %add3A_290 = arith.addi %add3A_238, %add3A_144 : vector<16xi32>
            %add3A_291 = arith.addi %add3A_290, %add3A_150 : vector<16xi32>
            %xor3A_292 = arith.xori %add3A_238, %add3A_159 : vector<16xi32>
            %xor3A_293 = arith.xori %xor3A_292, %add3A_168 : vector<16xi32>
            %and3A_294 = arith.constant 524287 : i32
            %and3A_295 = vector.broadcast %and3A_294 : i32 to vector<16xi32>
            %and3A_296 = arith.andi %xor3A_293, %and3A_295 : vector<16xi32>
            %select_n3A_297 = arith.select %broadcast_in_dim3A_47, %add3A_291, %and3A_296 : vector<16xi1>, vector<16xi32>
            %add3A_298 = vector.broadcast %mul3A_49 : i32 to vector<16xi32>
            %add3A_299 = arith.addi %select_n3A_297, %add3A_298 : vector<16xi32>
            %mul3A_300 = arith.constant 640 : i32
            %mul3A_301 = arith.muli %scan3A_38, %mul3A_300 : i32
            %add3A_302 = arith.constant 560 : i32
            %add3A_303 = arith.addi %mul3A_301, %add3A_302 : i32
            %add3A_304 = arith.addi %add3A_303, %mul3A_67 : i32
            %swap3A_305 = arith.index_cast %add3A_304 : i32 to index
            %swap3A_306 = tpu.vector_load %arg6[%swap3A_305] {strides = array<i32>} : memref<10240xi32, #tpu.memory_space<vmem>>, vector<16xi32>,
            tpu.vector_store %arg6[%swap3A_305], %add3A_299 {strides = array<i32>} : memref<10240xi32, #tpu.memory_space<vmem>>, vector<16xi32>,
          }
          %scan3A_55 = arith.constant 5 : i32
          %mul3A_56 = arith.constant 640 : i32
          %mul3A_57 = arith.muli %scan3A_38, %mul3A_56 : i32
          %mul3A_58 = arith.constant 640 : i32
          %mul3A_59 = arith.muli %scan3A_38, %mul3A_58 : i32
          %dma_start3A = arith.constant 0 : i32
          %dma_start3A_60 = tpu.memref_slice %arg7[%mul3A_59, %dma_start3A] : memref<10240x2xf32, #tpu.memory_space<vmem>> -> memref<640x2xf32, #tpu.memory_space<vmem>>
          %dma_start3A_61 = tpu.memref_slice %arg6[%mul3A_57] : memref<10240xi32, #tpu.memory_space<vmem>> -> memref<640xi32, #tpu.memory_space<vmem>>
          %dma_start3A_62 = arith.constant 0 : i32
          %dma_start3A_63 = arith.constant 0 : i32
          %dma_start3A_64 = tpu.memref_slice %arg3[%dma_start3A_62, %dma_start3A_63] : memref<8388608x2xf32, #tpu.memory_space<hbm>> -> memref<8388608x2xf32, #tpu.memory_space<hbm>>
          tpu.enqueue_indirect_dma source(%dma_start3A_64 : memref<8388608x2xf32, #tpu.memory_space<hbm>>) target(%dma_start3A_60 : memref<640x2xf32, #tpu.memory_space<vmem>>) offsets(%dma_start3A_61 : memref<640xi32, #tpu.memory_space<vmem>>) semaphore(%arg9 : memref<!tpu.dma_semaphore, #tpu.memory_space<semaphore_mem>>)
        }
        %scan3A_27 = arith.constant 16 : i32
        %dma_wait3A = arith.constant 0 : i32
        %dma_wait3A_28 = arith.constant 0 : i32
        %dma_wait3A_29 = tpu.memref_slice %arg3[%dma_wait3A, %dma_wait3A_28] : memref<8388608x2xf32, #tpu.memory_space<hbm>> -> memref<8388608x2xf32, #tpu.memory_space<hbm>>
        tpu.wait_indirect_dma semaphore(%arg9 : memref<!tpu.dma_semaphore, #tpu.memory_space<semaphore_mem>>) src(%dma_wait3A_29 : memref<8388608x2xf32, #tpu.memory_space<hbm>>) dst(%arg7 : memref<10240x2xf32, #tpu.memory_space<vmem>>)
        %scan3A_30 = arith.constant 0 : i32
        %scan3A_31 = arith.constant 0 : i32
        %scan3A_32 = arith.constant 16 : i32
        %scan3A_33 = arith.addi %scan3A_31, %scan3A_32 : i32
        %scan3A_34 = arith.constant 1 : i32
        scf.for %scan3A_38 = %scan3A_31 to %scan3A_33 step %scan3A_34  : i32 {
          %shift_left3A = arith.constant 16 : i32
          %shift_left3A_39 = arith.shli %shift_left3A, %scan3A_38 : i32
          %sub3A = arith.constant 1 : i32
          %sub3A_40 = arith.subi %shift_left3A_39, %sub3A : i32
          %convert_element_type3A_41 = arith.sitofp %sub3A_40 : i32 to f32
          %scan3A_42 = arith.constant 0 : i32
          %scan3A_43 = arith.constant 0 : i32
          %scan3A_44 = arith.constant 5 : i32
          %scan3A_45 = arith.addi %scan3A_43, %scan3A_44 : i32
          %scan3A_46 = arith.constant 1 : i32
          scf.for %scan3A_48 = %scan3A_43 to %scan3A_45 step %scan3A_46  : i32 {
            %mul3A_49 = arith.constant 16 : i32
            %mul3A_50 = arith.muli %scan3A_48, %mul3A_49 : i32
            %mul3A_51 = arith.constant 3 : i32
            %mul3A_52 = arith.muli %mul3A_50, %mul3A_51 : i32
            %add3A_53 = arith.constant 0 : i32
            %add3A_54 = arith.addi %mul3A_52, %add3A_53 : i32
            %add3A_55 = vector.broadcast %add3A_54 : i32 to vector<16xi32>
            %add3A_56 = arith.addi %mul3A_3, %add3A_55 : vector<16xi32>
            %gather3A = tpu.vector_load_idx %arg5[%add3A_56] : memref<240xf32, #tpu.memory_space<vmem>>[vector<16xi32>], vector<16xf32>,
            %add3A_57 = arith.constant 1.100000e+01 : f32
            %add3A_58 = vector.broadcast %add3A_57 : f32 to vector<16xf32>
            %add3A_59 = arith.addf %gather3A, %add3A_58 : vector<16xf32>
            %mul3A_60 = arith.constant 0.0454545468 : f32
            %mul3A_61 = vector.broadcast %mul3A_60 : f32 to vector<16xf32>
            %mul3A_62 = arith.mulf %add3A_59, %mul3A_61 : vector<16xf32>
            %jit3A = arith.constant 0.000000e+00 : f32
            %jit3A_63 = arith.constant 1.000000e+00 : f32
            %max3A = vector.broadcast %jit3A : f32 to vector<16xf32>
            %max3A_64 = arith.maximumf %max3A, %mul3A_62 : vector<16xf32>
            %min3A = vector.broadcast %jit3A_63 : f32 to vector<16xf32>
            %min3A_65 = arith.minimumf %min3A, %max3A_64 : vector<16xf32>
            %mul3A_66 = vector.broadcast %convert_element_type3A_41 : f32 to vector<16xf32>
            %mul3A_67 = arith.mulf %min3A_65, %mul3A_66 : vector<16xf32>
            %add3A_68 = arith.constant 5.000000e-01 : f32
            %add3A_69 = vector.broadcast %add3A_68 : f32 to vector<16xf32>
            %add3A_70 = arith.addf %mul3A_67, %add3A_69 : vector<16xf32>
            %convert_element_type3A_71 = arith.fptosi %add3A_70 : vector<16xf32> to vector<16xi32>
            %convert_element_type3A_72 = arith.sitofp %convert_element_type3A_71 : vector<16xi32> to vector<16xf32>
            %sub3A_73 = arith.subf %add3A_70, %convert_element_type3A_72 : vector<16xf32>
            %mul3A_74 = arith.constant 3 : i32
            %mul3A_75 = arith.muli %mul3A_50, %mul3A_74 : i32
            %add3A_76 = arith.constant 1 : i32
            %add3A_77 = arith.addi %mul3A_75, %add3A_76 : i32
            %add3A_78 = vector.broadcast %add3A_77 : i32 to vector<16xi32>
            %add3A_79 = arith.addi %mul3A_3, %add3A_78 : vector<16xi32>
            %gather3A_80 = tpu.vector_load_idx %arg5[%add3A_79] : memref<240xf32, #tpu.memory_space<vmem>>[vector<16xi32>], vector<16xf32>,
            %add3A_81 = arith.constant 1.100000e+01 : f32
            %add3A_82 = vector.broadcast %add3A_81 : f32 to vector<16xf32>
            %add3A_83 = arith.addf %gather3A_80, %add3A_82 : vector<16xf32>
            %mul3A_84 = arith.constant 0.0454545468 : f32
            %mul3A_85 = vector.broadcast %mul3A_84 : f32 to vector<16xf32>
            %mul3A_86 = arith.mulf %add3A_83, %mul3A_85 : vector<16xf32>
            %jit3A_87 = arith.constant 0.000000e+00 : f32
            %jit3A_88 = arith.constant 1.000000e+00 : f32
            %max3A_89 = vector.broadcast %jit3A_87 : f32 to vector<16xf32>
            %max3A_90 = arith.maximumf %max3A_89, %mul3A_86 : vector<16xf32>
            %min3A_91 = vector.broadcast %jit3A_88 : f32 to vector<16xf32>
            %min3A_92 = arith.minimumf %min3A_91, %max3A_90 : vector<16xf32>
            %mul3A_93 = vector.broadcast %convert_element_type3A_41 : f32 to vector<16xf32>
            %mul3A_94 = arith.mulf %min3A_92, %mul3A_93 : vector<16xf32>
            %add3A_95 = arith.constant 5.000000e-01 : f32
            %add3A_96 = vector.broadcast %add3A_95 : f32 to vector<16xf32>
            %add3A_97 = arith.addf %mul3A_94, %add3A_96 : vector<16xf32>
            %convert_element_type3A_98 = arith.fptosi %add3A_97 : vector<16xf32> to vector<16xi32>
            %convert_element_type3A_99 = arith.sitofp %convert_element_type3A_98 : vector<16xi32> to vector<16xf32>
            %sub3A_100 = arith.subf %add3A_97, %convert_element_type3A_99 : vector<16xf32>
            %mul3A_101 = arith.constant 3 : i32
            %mul3A_102 = arith.muli %mul3A_50, %mul3A_101 : i32
            %add3A_103 = arith.constant 2 : i32
            %add3A_104 = arith.addi %mul3A_102, %add3A_103 : i32
            %add3A_105 = vector.broadcast %add3A_104 : i32 to vector<16xi32>
            %add3A_106 = arith.addi %mul3A_3, %add3A_105 : vector<16xi32>
            %gather3A_107 = tpu.vector_load_idx %arg5[%add3A_106] : memref<240xf32, #tpu.memory_space<vmem>>[vector<16xi32>], vector<16xf32>,
            %add3A_108 = arith.constant 1.100000e+01 : f32
            %add3A_109 = vector.broadcast %add3A_108 : f32 to vector<16xf32>
            %add3A_110 = arith.addf %gather3A_107, %add3A_109 : vector<16xf32>
            %mul3A_111 = arith.constant 0.0454545468 : f32
            %mul3A_112 = vector.broadcast %mul3A_111 : f32 to vector<16xf32>
            %mul3A_113 = arith.mulf %add3A_110, %mul3A_112 : vector<16xf32>
            %jit3A_114 = arith.constant 0.000000e+00 : f32
            %jit3A_115 = arith.constant 1.000000e+00 : f32
            %max3A_116 = vector.broadcast %jit3A_114 : f32 to vector<16xf32>
            %max3A_117 = arith.maximumf %max3A_116, %mul3A_113 : vector<16xf32>
            %min3A_118 = vector.broadcast %jit3A_115 : f32 to vector<16xf32>
            %min3A_119 = arith.minimumf %min3A_118, %max3A_117 : vector<16xf32>
            %mul3A_120 = vector.broadcast %convert_element_type3A_41 : f32 to vector<16xf32>
            %mul3A_121 = arith.mulf %min3A_119, %mul3A_120 : vector<16xf32>
            %add3A_122 = arith.constant 5.000000e-01 : f32
            %add3A_123 = vector.broadcast %add3A_122 : f32 to vector<16xf32>
            %add3A_124 = arith.addf %mul3A_121, %add3A_123 : vector<16xf32>
            %convert_element_type3A_125 = arith.fptosi %add3A_124 : vector<16xf32> to vector<16xi32>
            %convert_element_type3A_126 = arith.sitofp %convert_element_type3A_125 : vector<16xi32> to vector<16xf32>
            %sub3A_127 = arith.subf %add3A_124, %convert_element_type3A_126 : vector<16xf32>
            %sub3A_128 = arith.constant 1.000000e+00 : f32
            %sub3A_129 = vector.broadcast %sub3A_128 : f32 to vector<16xf32>
            %sub3A_130 = arith.subf %sub3A_129, %sub3A_73 : vector<16xf32>
            %sub3A_131 = arith.constant 1.000000e+00 : f32
            %sub3A_132 = vector.broadcast %sub3A_131 : f32 to vector<16xf32>
            %sub3A_133 = arith.subf %sub3A_132, %sub3A_100 : vector<16xf32>
            %sub3A_134 = arith.constant 1.000000e+00 : f32
            %sub3A_135 = vector.broadcast %sub3A_134 : f32 to vector<16xf32>
            %sub3A_136 = arith.subf %sub3A_135, %sub3A_127 : vector<16xf32>
            %mul3A_137 = arith.mulf %sub3A_133, %sub3A_136 : vector<16xf32>
            %mul3A_138 = arith.mulf %sub3A_133, %sub3A_127 : vector<16xf32>
            %mul3A_139 = arith.mulf %sub3A_100, %sub3A_136 : vector<16xf32>
            %mul3A_140 = arith.mulf %sub3A_100, %sub3A_127 : vector<16xf32>
            %broadcast_in_dim3A_141 = arith.constant 0.000000e+00 : f32
            %broadcast_in_dim3A_142 = vector.broadcast %broadcast_in_dim3A_141 : f32 to vector<16xf32>
            %broadcast_in_dim3A_143 = arith.constant 0.000000e+00 : f32
            %broadcast_in_dim3A_144 = vector.broadcast %broadcast_in_dim3A_143 : f32 to vector<16xf32>
            %mul3A_145 = arith.mulf %sub3A_130, %mul3A_137 : vector<16xf32>
            %mul3A_146 = arith.constant 640 : i32
            %mul3A_147 = arith.muli %scan3A_38, %mul3A_146 : i32
            %add3A_148 = arith.constant 0 : i32
            %add3A_149 = arith.addi %mul3A_147, %add3A_148 : i32
            %add3A_150 = arith.addi %add3A_149, %mul3A_50 : i32
            %add3A_151 = vector.broadcast %add3A_150 : i32 to vector<16xi32>
            %add3A_152 = arith.addi %add3A_151, %iota3A : vector<16xi32>
            %gather3A_153 = tpu.vector_load_idx %arg7[%add3A_152, %broadcast_in_dim3A_4] : memref<10240x2xf32, #tpu.memory_space<vmem>>[vector<16xi32>, vector<16xi32>], vector<16xf32>,
            %gather3A_154 = tpu.vector_load_idx %arg7[%add3A_152, %broadcast_in_dim3A_6] : memref<10240x2xf32, #tpu.memory_space<vmem>>[vector<16xi32>, vector<16xi32>], vector<16xf32>,
            %mul3A_155 = arith.mulf %mul3A_145, %gather3A_153 : vector<16xf32>
            %add3A_156 = arith.addf %broadcast_in_dim3A_142, %mul3A_155 : vector<16xf32>
            %mul3A_157 = arith.mulf %mul3A_145, %gather3A_154 : vector<16xf32>
            %add3A_158 = arith.addf %broadcast_in_dim3A_144, %mul3A_157 : vector<16xf32>
            %mul3A_159 = arith.mulf %sub3A_130, %mul3A_138 : vector<16xf32>
            %mul3A_160 = arith.constant 640 : i32
            %mul3A_161 = arith.muli %scan3A_38, %mul3A_160 : i32
            %add3A_162 = arith.constant 80 : i32
            %add3A_163 = arith.addi %mul3A_161, %add3A_162 : i32
            %add3A_164 = arith.addi %add3A_163, %mul3A_50 : i32
            %add3A_165 = vector.broadcast %add3A_164 : i32 to vector<16xi32>
            %add3A_166 = arith.addi %add3A_165, %iota3A : vector<16xi32>
            %gather3A_167 = tpu.vector_load_idx %arg7[%add3A_166, %broadcast_in_dim3A_4] : memref<10240x2xf32, #tpu.memory_space<vmem>>[vector<16xi32>, vector<16xi32>], vector<16xf32>,
            %gather3A_168 = tpu.vector_load_idx %arg7[%add3A_166, %broadcast_in_dim3A_6] : memref<10240x2xf32, #tpu.memory_space<vmem>>[vector<16xi32>, vector<16xi32>], vector<16xf32>,
            %mul3A_169 = arith.mulf %mul3A_159, %gather3A_167 : vector<16xf32>
            %add3A_170 = arith.addf %add3A_156, %mul3A_169 : vector<16xf32>
            %mul3A_171 = arith.mulf %mul3A_159, %gather3A_168 : vector<16xf32>
            %add3A_172 = arith.addf %add3A_158, %mul3A_171 : vector<16xf32>
            %mul3A_173 = arith.mulf %sub3A_130, %mul3A_139 : vector<16xf32>
            %mul3A_174 = arith.constant 640 : i32
            %mul3A_175 = arith.muli %scan3A_38, %mul3A_174 : i32
            %add3A_176 = arith.constant 160 : i32
            %add3A_177 = arith.addi %mul3A_175, %add3A_176 : i32
            %add3A_178 = arith.addi %add3A_177, %mul3A_50 : i32
            %add3A_179 = vector.broadcast %add3A_178 : i32 to vector<16xi32>
            %add3A_180 = arith.addi %add3A_179, %iota3A : vector<16xi32>
            %gather3A_181 = tpu.vector_load_idx %arg7[%add3A_180, %broadcast_in_dim3A_4] : memref<10240x2xf32, #tpu.memory_space<vmem>>[vector<16xi32>, vector<16xi32>], vector<16xf32>,
            %gather3A_182 = tpu.vector_load_idx %arg7[%add3A_180, %broadcast_in_dim3A_6] : memref<10240x2xf32, #tpu.memory_space<vmem>>[vector<16xi32>, vector<16xi32>], vector<16xf32>,
            %mul3A_183 = arith.mulf %mul3A_173, %gather3A_181 : vector<16xf32>
            %add3A_184 = arith.addf %add3A_170, %mul3A_183 : vector<16xf32>
            %mul3A_185 = arith.mulf %mul3A_173, %gather3A_182 : vector<16xf32>
            %add3A_186 = arith.addf %add3A_172, %mul3A_185 : vector<16xf32>
            %mul3A_187 = arith.mulf %sub3A_130, %mul3A_140 : vector<16xf32>
            %mul3A_188 = arith.constant 640 : i32
            %mul3A_189 = arith.muli %scan3A_38, %mul3A_188 : i32
            %add3A_190 = arith.constant 240 : i32
            %add3A_191 = arith.addi %mul3A_189, %add3A_190 : i32
            %add3A_192 = arith.addi %add3A_191, %mul3A_50 : i32
            %add3A_193 = vector.broadcast %add3A_192 : i32 to vector<16xi32>
            %add3A_194 = arith.addi %add3A_193, %iota3A : vector<16xi32>
            %gather3A_195 = tpu.vector_load_idx %arg7[%add3A_194, %broadcast_in_dim3A_4] : memref<10240x2xf32, #tpu.memory_space<vmem>>[vector<16xi32>, vector<16xi32>], vector<16xf32>,
            %gather3A_196 = tpu.vector_load_idx %arg7[%add3A_194, %broadcast_in_dim3A_6] : memref<10240x2xf32, #tpu.memory_space<vmem>>[vector<16xi32>, vector<16xi32>], vector<16xf32>,
            %mul3A_197 = arith.mulf %mul3A_187, %gather3A_195 : vector<16xf32>
            %add3A_198 = arith.addf %add3A_184, %mul3A_197 : vector<16xf32>
            %mul3A_199 = arith.mulf %mul3A_187, %gather3A_196 : vector<16xf32>
            %add3A_200 = arith.addf %add3A_186, %mul3A_199 : vector<16xf32>
            %mul3A_201 = arith.mulf %sub3A_73, %mul3A_137 : vector<16xf32>
            %mul3A_202 = arith.constant 640 : i32
            %mul3A_203 = arith.muli %scan3A_38, %mul3A_202 : i32
            %add3A_204 = arith.constant 320 : i32
            %add3A_205 = arith.addi %mul3A_203, %add3A_204 : i32
            %add3A_206 = arith.addi %add3A_205, %mul3A_50 : i32
            %add3A_207 = vector.broadcast %add3A_206 : i32 to vector<16xi32>
            %add3A_208 = arith.addi %add3A_207, %iota3A : vector<16xi32>
            %gather3A_209 = tpu.vector_load_idx %arg7[%add3A_208, %broadcast_in_dim3A_4] : memref<10240x2xf32, #tpu.memory_space<vmem>>[vector<16xi32>, vector<16xi32>], vector<16xf32>,
            %gather3A_210 = tpu.vector_load_idx %arg7[%add3A_208, %broadcast_in_dim3A_6] : memref<10240x2xf32, #tpu.memory_space<vmem>>[vector<16xi32>, vector<16xi32>], vector<16xf32>,
            %mul3A_211 = arith.mulf %mul3A_201, %gather3A_209 : vector<16xf32>
            %add3A_212 = arith.addf %add3A_198, %mul3A_211 : vector<16xf32>
            %mul3A_213 = arith.mulf %mul3A_201, %gather3A_210 : vector<16xf32>
            %add3A_214 = arith.addf %add3A_200, %mul3A_213 : vector<16xf32>
            %mul3A_215 = arith.mulf %sub3A_73, %mul3A_138 : vector<16xf32>
            %mul3A_216 = arith.constant 640 : i32
            %mul3A_217 = arith.muli %scan3A_38, %mul3A_216 : i32
            %add3A_218 = arith.constant 400 : i32
            %add3A_219 = arith.addi %mul3A_217, %add3A_218 : i32
            %add3A_220 = arith.addi %add3A_219, %mul3A_50 : i32
            %add3A_221 = vector.broadcast %add3A_220 : i32 to vector<16xi32>
            %add3A_222 = arith.addi %add3A_221, %iota3A : vector<16xi32>
            %gather3A_223 = tpu.vector_load_idx %arg7[%add3A_222, %broadcast_in_dim3A_4] : memref<10240x2xf32, #tpu.memory_space<vmem>>[vector<16xi32>, vector<16xi32>], vector<16xf32>,
            %gather3A_224 = tpu.vector_load_idx %arg7[%add3A_222, %broadcast_in_dim3A_6] : memref<10240x2xf32, #tpu.memory_space<vmem>>[vector<16xi32>, vector<16xi32>], vector<16xf32>,
            %mul3A_225 = arith.mulf %mul3A_215, %gather3A_223 : vector<16xf32>
            %add3A_226 = arith.addf %add3A_212, %mul3A_225 : vector<16xf32>
            %mul3A_227 = arith.mulf %mul3A_215, %gather3A_224 : vector<16xf32>
            %add3A_228 = arith.addf %add3A_214, %mul3A_227 : vector<16xf32>
            %mul3A_229 = arith.mulf %sub3A_73, %mul3A_139 : vector<16xf32>
            %mul3A_230 = arith.constant 640 : i32
            %mul3A_231 = arith.muli %scan3A_38, %mul3A_230 : i32
            %add3A_232 = arith.constant 480 : i32
            %add3A_233 = arith.addi %mul3A_231, %add3A_232 : i32
            %add3A_234 = arith.addi %add3A_233, %mul3A_50 : i32
            %add3A_235 = vector.broadcast %add3A_234 : i32 to vector<16xi32>
            %add3A_236 = arith.addi %add3A_235, %iota3A : vector<16xi32>
            %gather3A_237 = tpu.vector_load_idx %arg7[%add3A_236, %broadcast_in_dim3A_4] : memref<10240x2xf32, #tpu.memory_space<vmem>>[vector<16xi32>, vector<16xi32>], vector<16xf32>,
            %gather3A_238 = tpu.vector_load_idx %arg7[%add3A_236, %broadcast_in_dim3A_6] : memref<10240x2xf32, #tpu.memory_space<vmem>>[vector<16xi32>, vector<16xi32>], vector<16xf32>,
            %mul3A_239 = arith.mulf %mul3A_229, %gather3A_237 : vector<16xf32>
            %add3A_240 = arith.addf %add3A_226, %mul3A_239 : vector<16xf32>
            %mul3A_241 = arith.mulf %mul3A_229, %gather3A_238 : vector<16xf32>
            %add3A_242 = arith.addf %add3A_228, %mul3A_241 : vector<16xf32>
            %mul3A_243 = arith.mulf %sub3A_73, %mul3A_140 : vector<16xf32>
            %mul3A_244 = arith.constant 640 : i32
            %mul3A_245 = arith.muli %scan3A_38, %mul3A_244 : i32
            %add3A_246 = arith.constant 560 : i32
            %add3A_247 = arith.addi %mul3A_245, %add3A_246 : i32
            %add3A_248 = arith.addi %add3A_247, %mul3A_50 : i32
            %add3A_249 = vector.broadcast %add3A_248 : i32 to vector<16xi32>
            %add3A_250 = arith.addi %add3A_249, %iota3A : vector<16xi32>
            %gather3A_251 = tpu.vector_load_idx %arg7[%add3A_250, %broadcast_in_dim3A_4] : memref<10240x2xf32, #tpu.memory_space<vmem>>[vector<16xi32>, vector<16xi32>], vector<16xf32>,
            %gather3A_252 = tpu.vector_load_idx %arg7[%add3A_250, %broadcast_in_dim3A_6] : memref<10240x2xf32, #tpu.memory_space<vmem>>[vector<16xi32>, vector<16xi32>], vector<16xf32>,
            %mul3A_253 = arith.mulf %mul3A_243, %gather3A_251 : vector<16xf32>
            %add3A_254 = arith.addf %add3A_240, %mul3A_253 : vector<16xf32>
            %mul3A_255 = arith.mulf %mul3A_243, %gather3A_252 : vector<16xf32>
            %add3A_256 = arith.addf %add3A_242, %mul3A_255 : vector<16xf32>
            %add3A_257 = vector.broadcast %mul3A_50 : i32 to vector<16xi32>
            %add3A_258 = arith.addi %add3A_257, %iota3A : vector<16xi32>
            %mul3A_259 = arith.constant 32 : i32
            %mul3A_260 = vector.broadcast %mul3A_259 : i32 to vector<16xi32>
            %mul3A_261 = arith.muli %add3A_258, %mul3A_260 : vector<16xi32>
            %mul3A_262 = arith.constant 2 : i32
            %mul3A_263 = arith.muli %mul3A_262, %scan3A_38 : i32
            %broadcast_in_dim3A_264 = vector.broadcast %mul3A_263 : i32 to vector<16xi32>
            %add3A_265 = arith.addi %mul3A_261, %broadcast_in_dim3A_264 : vector<16xi32>
            tpu.vector_store_idx %arg8[%add3A_265], %add3A_254 : memref<2560xf32, #tpu.memory_space<vmem>>[vector<16xi32>], vector<16xf32>,
            %add3A_266 = arith.addi %add3A_265, %broadcast_in_dim3A_6 : vector<16xi32>
            tpu.vector_store_idx %arg8[%add3A_266], %add3A_256 : memref<2560xf32, #tpu.memory_space<vmem>>[vector<16xi32>], vector<16xf32>,
          }
          %scan3A_47 = arith.constant 5 : i32
        }
        %scan3A_35 = arith.constant 16 : i32
        %mul3A_36 = arith.constant 32 : i32
        %mul3A_37 = arith.muli %mul3A_19, %mul3A_36 : i32
        "tpu.region"() ({
          %run_scoped3A = tpu.sem_alloc : memref<!tpu.dma_semaphore, #tpu.memory_space<semaphore_mem>>
          %dma_start3A = tpu.memref_slice %arg4[%mul3A_37] : memref<32000000xf32, #tpu.memory_space<hbm>> -> memref<2560xf32, #tpu.memory_space<hbm>>
          %dma_start3A_38 = tpu.memref_slice %arg4[%mul3A_37] : memref<32000000xf32, #tpu.memory_space<hbm>> -> memref<2560xf32, #tpu.memory_space<hbm>>
          tpu.enqueue_dma source(%arg8 : memref<2560xf32, #tpu.memory_space<vmem>>) target(%dma_start3A_38 : memref<2560xf32, #tpu.memory_space<hbm>>) target_semaphore(%run_scoped3A : memref<!tpu.dma_semaphore, #tpu.memory_space<semaphore_mem>>)
          %dma_wait3A_39 = tpu.memref_slice %arg4[%mul3A_37] : memref<32000000xf32, #tpu.memory_space<hbm>> -> memref<2560xf32, #tpu.memory_space<hbm>>
          %dma_wait3A_40 = tpu.memref_slice %arg4[%mul3A_37] : memref<32000000xf32, #tpu.memory_space<hbm>> -> memref<2560xf32, #tpu.memory_space<hbm>>
          tpu.wait_dma2 semaphore(%run_scoped3A : memref<!tpu.dma_semaphore, #tpu.memory_space<semaphore_mem>>) src(%arg8 : memref<2560xf32, #tpu.memory_space<vmem>>) dst(%dma_wait3A_40 : memref<2560xf32, #tpu.memory_space<hbm>>)
          tpu.yield
        }) : () -> ()
      } else {
      }
    }
    %scan3A_11 = arith.constant 391 : i32
    return
  }
}

module attributes {stable_mosaic.version = 14 : i64} {
  func.func @mlp_body(%arg0: i32, %arg1: memref<8000x32xf32, #tpu.memory_space<vmem>>, %arg2: memref<32x64xf32, #tpu.memory_space<vmem>>, %arg3: memref<1x64xf32, #tpu.memory_space<vmem>>, %arg4: memref<64x64xf32, #tpu.memory_space<vmem>>, %arg5: memref<1x64xf32, #tpu.memory_space<vmem>>, %arg6: memref<64x1xf32, #tpu.memory_space<vmem>>, %arg7: memref<1x1xf32, #tpu.memory_space<vmem>>, %arg8: memref<8000x1xf32, #tpu.memory_space<vmem>>) attributes {dimension_semantics = [#tpu.dimension_semantics<arbitrary>], iteration_bounds = array<i64: 125>, scalar_prefetch = 0 : i64, scratch_operands = 0 : i64, tpu.core_type = #tpu.core_type<tc>, window_params = [{transform_indices = @transform_0, window_bounds = array<i64: 8000, 32>}, {pipeline_mode = #tpu.pipeline_mode<synchronous>, transform_indices = @transform_1, window_bounds = array<i64: 32, 64>}, {pipeline_mode = #tpu.pipeline_mode<synchronous>, transform_indices = @transform_2, window_bounds = array<i64: 1, 64>}, {pipeline_mode = #tpu.pipeline_mode<synchronous>, transform_indices = @transform_3, window_bounds = array<i64: 64, 64>}, {pipeline_mode = #tpu.pipeline_mode<synchronous>, transform_indices = @transform_4, window_bounds = array<i64: 1, 64>}, {pipeline_mode = #tpu.pipeline_mode<synchronous>, transform_indices = @transform_5, window_bounds = array<i64: 64, 1>}, {pipeline_mode = #tpu.pipeline_mode<synchronous>, transform_indices = @transform_6, window_bounds = array<i64: 1, 1>}, {transform_indices = @transform_7, window_bounds = array<i64: 8000, 1>}]} {
    %get3A = arith.constant 0 : index
    %get3A_0 = arith.constant 0 : index
    %get3A_1 = vector.load %arg1[%get3A, %get3A_0] : memref<8000x32xf32, #tpu.memory_space<vmem>>, vector<8000x32xf32>
    %get3A_2 = arith.constant 0 : index
    %get3A_3 = arith.constant 0 : index
    %get3A_4 = vector.load %arg2[%get3A_2, %get3A_3] : memref<32x64xf32, #tpu.memory_space<vmem>>, vector<32x64xf32>
    %dot_general3A = arith.constant dense<0.000000e+00> : vector<8000x64xf32>
    %dot_general3A_5 = tpu.matmul %get3A_1, %get3A_4, %dot_general3A {dimension_numbers = #tpu.dot_dimension_numbers<[1], [0], [0], [1], [0, 0, 1, 1], [], []>, transpose_lhs_hint = false} : vector<8000x32xf32>, vector<32x64xf32>, vector<8000x64xf32> -> vector<8000x64xf32>
    %get3A_6 = arith.constant 0 : index
    %get3A_7 = arith.constant 0 : index
    %get3A_8 = vector.load %arg3[%get3A_6, %get3A_7] : memref<1x64xf32, #tpu.memory_space<vmem>>, vector<1x64xf32>
    %add3A = vector.broadcast %get3A_8 : vector<1x64xf32> to vector<8000x64xf32>
    %add3A_9 = arith.addf %dot_general3A_5, %add3A : vector<8000x64xf32>
    %max3A = arith.constant 0.000000e+00 : f32
    %max3A_10 = vector.broadcast %max3A : f32 to vector<8000x64xf32>
    %max3A_11 = arith.maximumf %add3A_9, %max3A_10 : vector<8000x64xf32>
    %get3A_12 = arith.constant 0 : index
    %get3A_13 = arith.constant 0 : index
    %get3A_14 = vector.load %arg4[%get3A_12, %get3A_13] : memref<64x64xf32, #tpu.memory_space<vmem>>, vector<64x64xf32>
    %dot_general3A_15 = arith.constant dense<0.000000e+00> : vector<8000x64xf32>
    %dot_general3A_16 = tpu.matmul %max3A_11, %get3A_14, %dot_general3A_15 {dimension_numbers = #tpu.dot_dimension_numbers<[1], [0], [0], [1], [0, 0, 1, 1], [], []>, transpose_lhs_hint = false} : vector<8000x64xf32>, vector<64x64xf32>, vector<8000x64xf32> -> vector<8000x64xf32>
    %get3A_17 = arith.constant 0 : index
    %get3A_18 = arith.constant 0 : index
    %get3A_19 = vector.load %arg5[%get3A_17, %get3A_18] : memref<1x64xf32, #tpu.memory_space<vmem>>, vector<1x64xf32>
    %add3A_20 = vector.broadcast %get3A_19 : vector<1x64xf32> to vector<8000x64xf32>
    %add3A_21 = arith.addf %dot_general3A_16, %add3A_20 : vector<8000x64xf32>
    %max3A_22 = arith.constant 0.000000e+00 : f32
    %max3A_23 = vector.broadcast %max3A_22 : f32 to vector<8000x64xf32>
    %max3A_24 = arith.maximumf %add3A_21, %max3A_23 : vector<8000x64xf32>
    %get3A_25 = arith.constant 0 : index
    %get3A_26 = arith.constant 0 : index
    %get3A_27 = vector.load %arg6[%get3A_25, %get3A_26] : memref<64x1xf32, #tpu.memory_space<vmem>>, vector<64x1xf32>
    %dot_general3A_28 = arith.constant dense<0.000000e+00> : vector<8000x1xf32>
    %dot_general3A_29 = tpu.matmul %max3A_24, %get3A_27, %dot_general3A_28 {dimension_numbers = #tpu.dot_dimension_numbers<[1], [0], [0], [1], [0, 0, 1, 1], [], []>, transpose_lhs_hint = false} : vector<8000x64xf32>, vector<64x1xf32>, vector<8000x1xf32> -> vector<8000x1xf32>
    %get3A_30 = arith.constant 0 : index
    %get3A_31 = arith.constant 0 : index
    %get3A_32 = vector.load %arg7[%get3A_30, %get3A_31] : memref<1x1xf32, #tpu.memory_space<vmem>>, vector<1x1xf32>
    %add3A_33 = vector.broadcast %get3A_32 : vector<1x1xf32> to vector<8000x1xf32>
    %add3A_34 = arith.addf %dot_general3A_29, %add3A_33 : vector<8000x1xf32>
    %swap3A = arith.constant 0 : index
    %swap3A_35 = arith.constant 0 : index
    %swap3A_36 = vector.load %arg8[%swap3A, %swap3A_35] : memref<8000x1xf32, #tpu.memory_space<vmem>>, vector<8000x1xf32>
    tpu.vector_store %arg8[%swap3A, %swap3A_35], %add3A_34 {strides = array<i32>} : memref<8000x1xf32, #tpu.memory_space<vmem>>, vector<8000x1xf32>,
    return
  }
  func.func @transform_0(%arg0: i32) -> (i32, i32) {
    %c0_i32 = arith.constant 0 : i32
    %c0_i32_0 = arith.constant 0 : i32
    return %arg0, %c0_i32 : i32, i32
  }
  func.func @transform_1(%arg0: i32) -> (i32, i32) {
    %c0_i32 = arith.constant 0 : i32
    %c0_i32_0 = arith.constant 0 : i32
    %c0_i32_1 = arith.constant 0 : i32
    return %c0_i32, %c0_i32_0 : i32, i32
  }
  func.func @transform_2(%arg0: i32) -> (i32, i32) {
    %c0_i32 = arith.constant 0 : i32
    %c0_i32_0 = arith.constant 0 : i32
    %c0_i32_1 = arith.constant 0 : i32
    return %c0_i32, %c0_i32_0 : i32, i32
  }
  func.func @transform_3(%arg0: i32) -> (i32, i32) {
    %c0_i32 = arith.constant 0 : i32
    %c0_i32_0 = arith.constant 0 : i32
    %c0_i32_1 = arith.constant 0 : i32
    return %c0_i32, %c0_i32_0 : i32, i32
  }
  func.func @transform_4(%arg0: i32) -> (i32, i32) {
    %c0_i32 = arith.constant 0 : i32
    %c0_i32_0 = arith.constant 0 : i32
    %c0_i32_1 = arith.constant 0 : i32
    return %c0_i32, %c0_i32_0 : i32, i32
  }
  func.func @transform_5(%arg0: i32) -> (i32, i32) {
    %c0_i32 = arith.constant 0 : i32
    %c0_i32_0 = arith.constant 0 : i32
    %c0_i32_1 = arith.constant 0 : i32
    return %c0_i32, %c0_i32_0 : i32, i32
  }
  func.func @transform_6(%arg0: i32) -> (i32, i32) {
    %c0_i32 = arith.constant 0 : i32
    %c0_i32_0 = arith.constant 0 : i32
    %c0_i32_1 = arith.constant 0 : i32
    return %c0_i32, %c0_i32_0 : i32, i32
  }
  func.func @transform_7(%arg0: i32) -> (i32, i32) {
    %c0_i32 = arith.constant 0 : i32
    %c0_i32_0 = arith.constant 0 : i32
    return %arg0, %c0_i32 : i32, i32
  }
}

</mosaic_0001>

<sc_bundles>
// kernel: kernel.4.cloned.1.call-start
scs
__scs_entry_jumppad:
0x0: {  	(pc) =	sbr.rel $0x88, $3  }
0x1: {  	(tag) =	ssettag $0x0;
	lr =	simm.s32 $0x1  }
0x2: {  	[smem:$0x3F99] =	sst lr;
	_ =	strace $0xD0000000  }
0x3: {  	_ = 	snop  }
0x4: {  	_ = 	snop  }
0x5: {  	_ = 	snop  }
0x6: {  	_ = 	snop  }
0x7: {  	_ = 	snop  }
__scs_overlays_trampoline_lowered:
0x8: {  	[smem:$0x3FA8] =	sst s0  }
0x9: {  	[smem:$0x3FA9] =	sst s1  }
0xa: {  	[smem:$0x3FAA] =	sst s2  }
0xb: {  	[smem:$0x3FAB] =	sst s3  }
0xc: {  	[smem:$0x3FAC] =	sst s4  }
0xd: {  	[smem:$0x3FAD] =	sst s5  }
0xe: {  	[smem:$0x3FAE] =	sst s6  }
0xf: {  	[smem:$0x3FAF] =	sst s7  }
0x10: {  	[smem:$0x3FB0] =	sst s8  }
0x11: {  	[smem:$0x3FB1] =	sst s9;
	s0 =	simm.s32 @!p0 $0x0  }
0x12: {  	s1 =	sld [smem:$0x3F97];
	s0 =	simm.s32 @p0 $0x1  }
0x13: {  	[smem:$0x3FB2] =	sst s0;
	s0 =	simm.s32 @!p1 $0x0  }
0x14: {  	s2 =	sld [smem:$0x3F96];
	s0 =	simm.s32 @p1 $0x1  }
0x15: {  	[smem:$0x3FB3] =	sst s0;
	s0 =	simm.s32 @!p2 $0x0  }
0x16: {  	s3 =	sld [smem:$0x3FDB];
	s0 =	simm.s32 @p2 $0x1  }
0x17: {  	s4 =	simm.s32 $0x1BF5;
	[smem:$0x3FB5] =	sst s0  }
0x18: {  	s0 =	sld [smem:$0x3F98];
	_ =	swait.ge [sflag:s4], $0x0  }
0x19: {  	s7 =	sld [smem:$0x3F99]  }
0x1a: {  	s8 =	sadd.s32 $0xFFFFE003, lr  }
0x1b: {  	s9 =	sadd.s32 $0xFFFFFEF7, lr;
	s5 =	simm.s32 $0xFFFFFFFF;
	p2 =	slt.u32 s8, $0xFFFFF086  }
0x1c: {  	p1 =	slt.u32 s9, $0xF7A;
	s5 =	simm.s32 @!p2 $0x0  }
0x1d: {  	s5 =	simm.s32 @p1 $0x1;
	p0 =	seq.s32 s7, s2  }
0x1e: {  	s7 =	smul.u32 @!p0 $0xF7A, s2;
	p2 =	seq.s32 @!p0 s5, $0x0  }
0x1f: {  	s9 =	smul.u32 $0xF7A, s1;
	s8 =	simm.s32 @!p0 $0x1BF5;
	p2 =	por !p2, p0  }
0x20: {  	[sflag:s8] =	ssyncset.s32 @!p0 $0xFFFFF086;
	s6 =	sadd.s32 @!p0 s3, s7;
	s7 =	simm.s32 @!p0 $0x108  }
0x21: {  	s3 =	sadd.s32 s3, s9;
	s6 =	sadd.s32 @!p0 $0x88, s6;
	s7 =	simm.s32 @p2 $0x1082  }
0x22: {  	[simem:s7], [sflag:s8] =	dma.local @!p0 [hbm:s6], $0xF7A  }
0x23: {  	s9 =	sor.u32 $0xD0000000, s2;
	s6 =	simm.s32 $0x108;
	_ =	swait.ge @!p0 [sflag:s8], $0x0  }
0x24: {  	s3 =	sadd.s32 $0x88, s3;
	s6 =	simm.s32 @!p1 $0x1082;
	[sflag:s4] =	ssyncset.s32 $0xFFFFF086  }
0x25: {  	[simem:s6], [sflag:s4] =	dma.local [hbm:s3], $0xF7A  }
0x26: {  	[smem:$0x3F99] =	sst s1;
	(tag) =	ssettag s2;
	_ =	strace s9  }
0x27: {  	s1 =	sld [smem:$0x3FA9]  }
0x28: {  	s2 =	sld [smem:$0x3FAA]  }
0x29: {  	s4 =	sld [smem:$0x3FAC]  }
0x2a: {  	p0 =	seq.s32 s5, $0x0;
	s5 =	sld [smem:$0x3FAD]  }
0x2b: {  	s6 =	sld [smem:$0x3FAE]  }
0x2c: {  	s7 =	sld [smem:$0x3FAF]  }
0x2d: {  	s3 =	simm.s32 $0x108;
	s8 =	sld [smem:$0x3FB0]  }
0x2e: {  	s3 =	simm.s32 @!p0 $0x1082;
	s9 =	sld [smem:$0x3FB1]  }
0x2f: {  	lr =	sadd.s32 s0, s3;
	s0 =	sld [smem:$0x3FA8]  }
0x30: {  	s3 =	sld [smem:$0x3FAB]  }
0x31: {  	[smem:$0x3FB4] =	sst s10  }
0x32: {  	s10 =	sld [smem:$0x3FB2];
	_ =	sdelay $0x3  }
0x33: {  	p0 =	seq.s32 s10, $0x1;
	s10 =	sld [smem:$0x3FB4];
	_ =	sdelay $0x3  }
0x34: {  	[smem:$0x3FB4] =	sst s10  }
0x35: {  	s10 =	sld [smem:$0x3FB3];
	_ =	sdelay $0x3  }
0x36: {  	p1 =	seq.s32 s10, $0x1;
	s10 =	sld [smem:$0x3FB4];
	_ =	sdelay $0x3  }
0x37: {  	[smem:$0x3FB4] =	sst s10  }
0x38: {  	s10 =	sld [smem:$0x3FB5]  }
0x39: {  	_ = 	snop;
	(pc) =	sbr.ind lr, $3  }
0x3a: {  	_ = 	snop  }
0x3b: {  	_ = 	snop  }
0x3c: {  	p2 =	seq.s32 s10, $0x1;
	s10 =	sld [smem:$0x3FB4]  }
0x3d: {  	_ =	shalt  }
0x3e: {  	_ =	shalt  }
0x3f: {  	_ =	shalt  }
0x40: {  	_ =	shalt  }
0x41: {  	_ =	shalt  }
0x42: {  	_ =	shalt  }
0x43: {  	_ =	shalt  }
0x44: {  	_ =	shalt  }
0x45: {  	_ =	shalt  }
0x46: {  	_ =	shalt  }
0x47: {  	_ =	shalt  }
0x48: {  	_ =	shalt  }
0x49: {  	_ =	shalt  }
0x4a: {  	_ =	shalt  }
0x4b: {  	_ =	shalt  }
0x4c: {  	_ =	shalt  }
0x4d: {  	_ =	shalt  }
0x4e: {  	_ =	shalt  }
0x4f: {  	_ =	shalt  }
0x50: {  	_ =	shalt  }
0x51: {  	_ =	shalt  }
0x52: {  	_ =	shalt  }
0x53: {  	_ =	shalt  }
0x54: {  	_ =	shalt  }
0x55: {  	_ =	shalt  }
0x56: {  	_ =	shalt  }
0x57: {  	_ =	shalt  }
0x58: {  	_ =	shalt  }
0x59: {  	_ =	shalt  }
0x5a: {  	_ =	shalt  }
0x5b: {  	_ =	shalt  }
0x5c: {  	_ =	shalt  }
0x5d: {  	_ =	shalt  }
0x5e: {  	_ =	shalt  }
0x5f: {  	_ =	shalt  }
0x60: {  	_ =	shalt  }
0x61: {  	_ =	shalt  }
0x62: {  	_ =	shalt  }
0x63: {  	_ =	shalt  }
0x64: {  	_ =	shalt  }
0x65: {  	_ =	shalt  }
0x66: {  	_ =	shalt  }
0x67: {  	_ =	shalt  }
0x68: {  	_ =	shalt  }
0x69: {  	_ =	shalt  }
0x6a: {  	_ =	shalt  }
0x6b: {  	_ =	shalt  }
0x6c: {  	_ =	shalt  }
0x6d: {  	_ =	shalt  }
0x6e: {  	_ =	shalt  }
0x6f: {  	_ =	shalt  }
0x70: {  	_ =	shalt  }
0x71: {  	_ =	shalt  }
0x72: {  	_ =	shalt  }
0x73: {  	_ =	shalt  }
0x74: {  	_ =	shalt  }
0x75: {  	_ =	shalt  }
0x76: {  	_ =	shalt  }
0x77: {  	_ =	shalt  }
0x78: {  	_ =	shalt  }
0x79: {  	_ =	shalt  }
0x7a: {  	_ =	shalt  }
0x7b: {  	_ =	shalt  }
0x7c: {  	_ =	shalt  }
0x7d: {  	_ =	shalt  }
0x7e: {  	_ =	shalt  }
0x7f: {  	_ =	shalt  }
0x80: {  	_ =	shalt  }
0x81: {  	_ =	shalt  }
0x82: {  	_ =	shalt  }
0x83: {  	_ =	shalt  }
0x84: {  	_ =	shalt  }
0x85: {  	_ =	shalt  }
0x86: {  	_ =	shalt  }
0x87: {  	_ =	shalt  }
.Lfunc_end0:
.L_simem_size_0:
called_computation_lowered:
.L_overlay_start_0:
0x88: {  	s2 =	sld [smem:$0x3FD9]  }
0x89: {  	s3 =	sld [smem:$0x3FFE];
	_ =	sdelay $0x1  }
0x8a: {  	s1 =	srdreg.scid  }
0x8b: {  	s0 =	sand.u32 $0x1, s1  }
0x8c: {  	s16 =	sshll.u32 s0, $0xA;
	s2 =	sadd.s32 s3, s2  }
0x8d: {  	s2 =	sadd.s32 s2, s16  }
0x8e: {  	[smem:$0x3FC0] =	sst s2  }
0x8f: {  	_ = 	snop  }
0x90: {  	(tm) =	ssettm $0x1  }
0x91: {  	s17 =	sld [smem:$0x3FFB];
	_ =	sdelay $0x3  }
0x92: {  	_ =	strace s17  }
0x93: {  	s2 =	sld [smem:$0x3FFC];
	_ =	sdelay $0x3  }
0x94: {  	_ =	strace s2  }
0x95: {  	s2 =	sld [smem:$0x3FFD];
	_ =	sdelay $0x3  }
0x96: {  	_ =	strace s2  }
0x97: {  	_ =	strace $0x8FFFFFFF  }
0x98: {  	s18 =	sld [smem:$0x3FDB];
	_ =	sdelay $0x1  }
0x99: {  	s19 =	simm.s32 $_scs_section_size  }
0x9a: {  	s4 =	simm.s32 $_size__tile_overlayer_lowered;
	s5 =	simm.s32 $_tile_overlayer_lowered  }
0x9b: {  	s22 =	simm.s32 $0x1BFF;
	s21 =	sshll.u32 s5, $0x1;
	s2 =	sadd.s32 s19, s18  }
0x9c: {  	s6 =	simm.s32 $0x0;
	s20 =	sshll.u32 s4, $0x1;
	s4 =	sadd.s32 s21, s2  }
0x9d: {  	[timem:s6], [sflag:s22] =	dma.local [hbm:s4], s20  }
0x9e: {  	_ =	swait.ge [sflag:s22], s20  }
0x9f: {  	s3 =	ssub.s32 $0x0, s20;
	[sflag:s22] =	ssyncset.done $0x0  }
0xa0: {  	[sflag:s22] =	ssyncadd.s32 s3;
	_ =	sdelay $0x1  }
0xa1: {  	s23 =	simm.s32 $0x1B8B  }
0xa2: {  	_ =	swait.ge [sflag:s23], $0x1  }
0xa3: {  	[sflag:s23] =	ssyncset.done $0x0  }
0xa4: {  	s25 =	simm.s32 $0x1B8E;
	s24 =	sld [smem:$0x3FFE];
	[sflag:s23] =	ssyncadd.s32 $0xFFFFFFFF  }
0xa5: {  	s26 =	simm.s32 $execute0_lowered;
	[smem:$0x3FD2] =	sst s25  }
0xa6: {  	s4 =	sshll.u32 s26, $0x1;
	_ =	strace $0x80000046;
	[dreg:$0x1] =	wrdreg $0xFFFFFFFF  }
0xa7: {  	s28 =	simm.s32 $_size_execute0_lowered;
	s2 =	sadd.s32 s2, s4;
	[dreg:$0x0] =	wrdreg $0x0  }
0xa8: {  	s4 =	sshll.u32 s28, $0x1;
	[dreg:$0x2] =	wrdreg s2  }
0xa9: {  	[dreg:$0x3] =	wrdreg s4  }
0xaa: {  	[dreg:$0x4] =	wrdreg $0xC0  }
0xab: {  	_ =	task [dreg:s6], $0x5FFFF  }
0xac: {  	[dreg:$0x1] =	wrdreg $0xFFFFFFFF  }
0xad: {  	[dreg:$0x0] =	wrdreg $0x60  }
0xae: {  	[dreg:$0x2] =	wrdreg s24  }
0xaf: {  	[dreg:$0x3] =	wrdreg $0x9  }
0xb0: {  	_ =	task.clear_ibuf [dreg:s6], $0x4FFFF;
	_ =	strace $0x90000046  }
0xb1: {  	s29 =	simm.s32 $0x9;
	_ =	strace $0x80000048  }
0xb2: {  	_ =	swait.ge [sflag:s29], $0x1  }
0xb3: {  	[sflag:s29] =	ssyncadd.s32 $0xFFFFFFFF  }
0xb4: {  	_ =	strace $0x90000048  }
0xb5: {  	_ =	sfence  }
0xb6: {  	s30 =	sld [smem:$0x0];
	_ =	sdelay $0x2  }
0xb7: {  	s31 =	sshll.u32 s1, $0xD;
	s1 =	sshrl.u32 s1, $0x2  }
0xb8: {  	s3 =	sand.u32 $0x4000, s31;
	s1 =	sadd.s32 s1, s30  }
0xb9: {  	s0 =	sor.u32 s3, s0;
	s1 =	sshll.u32 s1, $0x11  }
0xba: {  	s0 =	sor.u32 s1, s0  }
0xbb: {  	s0 =	sadd.s32 $0x8F2B, s0  }
0xbc: {  	[sflag:s0] =	ssyncadd.remote.s32 $0x1  }
0xbd: {  	_ =	sfence.sel $0xFFFF  }
0xbe: {  	[dreg:$0x0] =	wrdreg $0xFFFFFFFF;
	(pc) =	sbr.abs _section_cstart, $3  }
0xbf: {  	[dreg:$0x1] =	wrdreg $0xFFFFFFFF  }
0xc0: {  	_ =	task.clear_ibuf [dreg:s6], $0x2FFFF;
	_ =	strace $0x9FFFFFFF  }
0xc1: {  	(tm) =	ssettm $0x7FFFFFFF  }
tec
execute0_lowered:
.L_overlay_start_1:
0x0: {  	(tag) =	ssettag $0x1  }
0x1: {  	s6 =	rddreg [dreg:$0x0]  }
0x2: {  	s0 =	rddreg [dreg:$0x1];
	s1 =	simm.s32 $0x0;
	s2 =	srdreg.scid  }
0x3: {  	s3 =	stileid.u32;
	s9 =	simm.s32 $0x3;
	s10 =	simm.s32 $0x10  }
0x4: {  	s11 =	simm.s32 $0x280;
	s12 =	simm.s32 $0x1;
	s13 =	simm.s32 $0x28F0  }
.Ltmp0:
0x5: {  	s14 =	simm.s32 $0x168F0;
	s2 =	sand.u32 $0x1, s2;
	(pc) =	sbr.rel .LBB2_1-.Ltmp0, $4  }
0x6: {  	v0 =	vimm.s32 $0x52741630;
	s15 =	simm.s32 $0x2;
	s16 =	simm.s32 $0x0;
	s7 =	ssub.s32 $0x2, s2  }
0x7: {  	v3 =	vlaneseq.u32;
	[smem:$0x7FF] =	sst s1;
	s4 =	sadd.s32 $0x1743600, s6;
	v1 =	vunpack.c.l.s4.s8 v0;
	s8 =	sshrl.u32 s7, $0x1  }
0x8: {  	s5 =	sadd.s32 $0x1200, s6;
	s6 =	sadd.s32 $0x801200, s6;
	v0 =	vmul.u32 $0x3, v3;
	s8 =	ssub.s32 s7, s8  }
0x9: {  	v2 =	vmul.u32 $0x8, v3;
	v3 =	vmul.u32 $0x20, v3;
	_ =	strace $0x80000047;
	v1 =	vunpack.c.0.s8.s32 v1;
	s7 =	sshll.u32 s3, $0x1;
	s8 =	smax.u32 s8, $0x1  }
.LBB2_13:
0xa: {  	s16 =	sadd.s32 $0x1, s16  }
0xb: {  	p0 =	sne.s32 s16, s8  }
.Ltmp1:
0xc: {  	_ = 	snop;
	(pc) =	sbr.rel @!p0 .LBB2_14-.Ltmp1, $1  }
0xd: {  	_ =	sdelay $0x3  }
.LBB2_1:
.Ltmp2:
0xe: {  	(pc) =	sbr.rel .LBB2_2-.Ltmp2, $2  }
0xf: {  	_ =	sdelay $0x2  }
0x10: {  	s17 =	simm.s32 $0x0  }
.LBB2_12:
0x11: {  	s17 =	sadd.s32 $0x1, s17  }
0x12: {  	p0 =	sne.s32 s17, $0x187  }
.Ltmp3:
0x13: {  	_ = 	snop;
	(pc) =	sbr.rel @!p0 .LBB2_13-.Ltmp3, $1  }
0x14: {  	_ =	sdelay $0x3  }
.LBB2_2:
0x15: {  	s18 =	sshll.u32 s17, $0x5  }
0x16: {  	s18 =	sor.u32 s7, s18  }
0x17: {  	p0 =	sgt.u32 s18, $0x30D3  }
.Ltmp4:
0x18: {  	_ = 	snop;
	(pc) =	sbr.rel @p0 .LBB2_12-.Ltmp4, $1  }
0x19: {  	_ =	sdelay $0x3  }
0x1a: {  	s18 =	sor.u32 s2, s18  }
0x1b: {  	s19 =	smul.u32 $0x1E, s18;
	_ =	sdelay $0x1  }
0x1c: {  	s20 =	sadd.s32 s4, s19;
	s19 =	simm.s32 $0x0  }
0x1d: {  	[tilespmem:s19], [sflag:$0x3] =	stream.linear.gather [hbm4b:s20+s19], $0xF0, $0x38;
	[tilespmem:$0x172F0] =	vst v63  }
0x1e: {  	_ =	swait.ge [sflag:s9], $0xF0  }
0x1f: {  	[sflag:s9] =	ssyncset.done $0x0  }
0x20: {  	s20 =	simm.s32 $0x230;
	[sflag:s9] =	ssyncadd.s32 $0xFFFFFF10  }
.LBB2_4:
0x21: {  	s21 =	simm.s32 $0x0;
	s22 =	simm.s32 $0x1  }
0x22: {  	s23 =	simm.s32 $0x2;
	v4 =	vadd.s32 s21, v0;
	v5 =	vadd.s32 s22, v0  }
0x23: {  	v6 =	vadd.s32 s23, v0;
	v4 =	vand.u32 $0x3F8, v4  }
0x24: {  	v4 =	vor.u32 v1, v4;
	_ =	sdelay $0x2  }
0x25: {  	v5 =	vld.idx.msk [tilespmem:v5+s1+$0x0], $0xffff  }
0x26: {  	v6 =	vld.idx.msk [tilespmem:v6+s1+$0x0], $0xffff  }
0x27: {  	v4 =	vld.idx.msk [tilespmem:v4+s1+$0x0], $0xffff;
	_ =	sdelay $0x2  }
0x28: {  	v5 =	vadd.f32 $1.100000000e+01, v5  }
0x29: {  	s26 =	sshll.u32 s10, s19;
	v6 =	vadd.f32 $1.100000000e+01, v6  }
0x2a: {  	s28 =	sadd.s32 $0xFFFFFFFF, s26;
	v4 =	vadd.f32 $1.100000000e+01, v4;
	v5 =	vmul.f32 $4.545454680e-02, v5  }
0x2b: {  	s22 =	scvt.s32.f32 s28;
	v6 =	vmul.f32 $4.545454680e-02, v6  }
0x2c: {  	v4 =	vmul.f32 $4.545454680e-02, v4;
	v7 =	vmax.f32 v5, $0.0e+00  }
0x2d: {  	v5 =	vmov s22;
	v6 =	vmax.f32 v6, $0.0e+00;
	v7 =	vmin.f32 v7, $1.000000000e+00  }
0x2e: {  	v6 =	vmin.f32 v6, $1.000000000e+00;
	v4 =	vmax.f32 v4, $0.0e+00;
	v7 =	vmul.f32 v7, v5  }
0x2f: {  	v6 =	vmul.f32 v6, v5;
	v4 =	vmin.f32 v4, $1.000000000e+00  }
0x30: {  	v4 =	vmul.f32 v4, v5;
	v7 =	vadd.f32 $5.000000000e-01, v7  }
0x31: {  	s21 =	sor.u32 $0x1, s26;
	v8 =	vadd.f32 $5.000000000e-01, v6  }
0x32: {  	s29 =	smul.u32 s21, s21;
	v4 =	vadd.f32 $5.000000000e-01, v4;
	v7 =	vtrunc.f32 v7  }
0x33: {  	v6 =	vmov s21;
	v8 =	vtrunc.f32 v8;
	v9 =	vcvt.f32.s32 v7  }
0x34: {  	v7 =	vmov s29;
	v8 =	vcvt.f32.s32 v8;
	v4 =	vtrunc.f32 v4  }
0x35: {  	s30 =	sshll.u32 s19, $0x13;
	v16 =	vcvt.f32.s32 v4;
	v17 =	vmul.u32 v9, v6;
	v18 =	vmul.u32 $0x9E3779B1, v9  }
0x36: {  	v4 =	vmov s30;
	v11 =	vmul.u32 v8, v7;
	v9 =	vmul.u32 $0x30025795, v8  }
0x37: {  	v19 =	vadd.s32 $0x9E3779B1, v18;
	v15 =	vadd.s32 v16, v17;
	v13 =	vadd.s32 $0x1, v16  }
0x38: {  	v10 =	vadd.s32 v7, v11;
	v14 =	vadd.s32 v6, v17;
	v12 =	vadd.s32 $0x30025795, v9  }
0x39: {  	s31 =	smul.u32 $0xA00, s19;
	v20 =	vxor.u32 v16, v19;
	v23 =	vxor.u32 v13, v18;
	v21 =	vadd.s32 v16, v14  }
0x3a: {  	v16 =	vxor.u32 v16, v18;
	v17 =	vadd.s32 v13, v17;
	v8 =	vxor.u32 v9, v20  }
0x3b: {  	p0 =	slt.u32 s19, $0x3;
	s24 =	smov.u32 s20;
	s21 =	sshra.s32 s31, $0x2;
	v22 =	vxor.u32 v12, v20;
	v18 =	vxor.u32 v23, v12;
	v24 =	vxor.u32 v9, v16  }
0x3c: {  	s23 =	simm.s32 $0x32;
	s22 =	smov.u32 s20;
	s21 =	sadd.s32 $0xF0, s21;
	v20 =	vadd.s32 v10, v21;
	v23 =	vxor.u32 v9, v23;
	v8 =	vand.u32 $0x7FFFF, v8  }
.LBB2_5:
0x3d: {  	p1 =	sne.s32 s23, $0xC2  }
0x3e: {  	v24 =	vand.u32 $0x7FFFF, v24;
	v25 =	vadd.s32 v11, v17;
	v19 =	vxor.u32 v13, v19;
	s24 =	sadd.s32 $0x10, s24;
	s25 =	smov.u32 s23;
	s23 =	sadd.s32 $0x30, s23  }
0x3f: {  	v26 =	vadd.s32 v15, v10;
	v22 =	vand.u32 $0x7FFFF, v22;
	v23 =	vand.u32 $0x7FFFF, v23  }
0x40: {  	v15 =	vadd.s32 v11, v15;
	v21 =	vadd.s32 v11, v21;
	v23 =	vpsel p0, v25, v23  }
0x41: {  	v16 =	vxor.u32 v16, v12;
	v15 =	vpsel p0, v15, v24;
	v23 =	vadd.s32 v4, v23  }
0x42: {  	v13 =	vadd.s32 v13, v14;
	v16 =	vand.u32 $0x7FFFF, v16;
	v15 =	vadd.s32 v4, v15;
	[tilespmem:s22+$0x0] =	vst v23  }
0x43: {  	v14 =	vadd.s32 v17, v10;
	v17 =	vand.u32 $0x7FFFF, v18;
	v11 =	vadd.s32 v11, v13  }
0x44: {  	v18 =	vpsel p0, v20, v22;
	v14 =	vpsel p0, v14, v17;
	v12 =	vxor.u32 v12, v19  }
0x45: {  	v9 =	vxor.u32 v9, v19;
	v14 =	vadd.s32 v4, v14;
	[tilespmem:s22+$0xFFFFFEC0] =	vst v15;
	v15 =	vadd.s32 v4, v18  }
0x46: {  	v10 =	vadd.s32 v10, v13;
	v9 =	vand.u32 $0x7FFFF, v9;
	v12 =	vand.u32 $0x7FFFF, v12  }
0x47: {  	v13 =	vpsel p0, v26, v16;
	v9 =	vpsel p0, v11, v9;
	v10 =	vpsel p0, v10, v12;
	[tilespmem:s22+$0xFFFFFFB0] =	vst v15  }
0x48: {  	s26 =	sadd.s32 $0xFFFFFFFE, s25;
	s28 =	sadd.s32 $0xFFFFFFFF, s25;
	v11 =	vadd.s32 v4, v13;
	v9 =	vadd.s32 v4, v9;
	v10 =	vadd.s32 v4, v10;
	[tilespmem:s22+$0x50] =	vst v14  }
0x49: {  	v8 =	vpsel p0, v21, v8;
	v12 =	vadd.s32 s26, v0;
	v13 =	vadd.s32 s28, v0;
	[tilespmem:s22+$0xA0] =	vst v9  }
0x4a: {  	v8 =	vadd.s32 v4, v8;
	v9 =	vand.u32 $0x3F8, v12;
	v12 =	vadd.s32 s25, v0;
	[tilespmem:s22+$0xF0] =	vst v10  }
0x4b: {  	v9 =	vor.u32 v1, v9;
	[tilespmem:s22+$0xFFFFFF60] =	vst v8  }
0x4c: {  	[tilespmem:s22+$0xFFFFFF10] =	vst v11;
	s22 =	smov.u32 s24;
	_ =	sdelay $0x1  }
0x4d: {  	v8 =	vld.idx.msk [tilespmem:v13+s1+$0x0], $0xffff  }
0x4e: {  	v10 =	vld.idx.msk [tilespmem:v12+s1+$0x0], $0xffff  }
0x4f: {  	v9 =	vld.idx.msk [tilespmem:v9+s1+$0x0], $0xffff;
	_ =	sdelay $0x3  }
0x50: {  	v8 =	vadd.f32 $1.100000000e+01, v8  }
0x51: {  	v10 =	vadd.f32 $1.100000000e+01, v10  }
0x52: {  	v9 =	vadd.f32 $1.100000000e+01, v9;
	v8 =	vmul.f32 $4.545454680e-02, v8  }
0x53: {  	v10 =	vmul.f32 $4.545454680e-02, v10  }
0x54: {  	v9 =	vmul.f32 $4.545454680e-02, v9;
	v8 =	vmax.f32 v8, $0.0e+00  }
0x55: {  	v8 =	vmin.f32 v8, $1.000000000e+00;
	v10 =	vmax.f32 v10, $0.0e+00  }
0x56: {  	v9 =	vmax.f32 v9, $0.0e+00;
	v8 =	vmul.f32 v8, v5;
	v10 =	vmin.f32 v10, $1.000000000e+00  }
0x57: {  	v9 =	vmin.f32 v9, $1.000000000e+00;
	v10 =	vmul.f32 v10, v5  }
0x58: {  	v9 =	vmul.f32 v9, v5;
	v8 =	vadd.f32 $5.000000000e-01, v8  }
0x59: {  	v10 =	vadd.f32 $5.000000000e-01, v10  }
0x5a: {  	v9 =	vadd.f32 $5.000000000e-01, v9;
	v8 =	vtrunc.f32 v8  }
0x5b: {  	v8 =	vcvt.f32.s32 v8;
	v10 =	vtrunc.f32 v10  }
0x5c: {  	v9 =	vtrunc.f32 v9;
	v10 =	vcvt.f32.s32 v10  }
0x5d: {  	v16 =	vcvt.f32.s32 v9;
	v17 =	vmul.u32 v8, v6;
	v18 =	vmul.u32 $0x9E3779B1, v8  }
0x5e: {  	v11 =	vmul.u32 v10, v7;
	v9 =	vmul.u32 $0x30025795, v10  }
0x5f: {  	v19 =	vadd.s32 $0x9E3779B1, v18;
	v15 =	vadd.s32 v16, v17;
	v13 =	vadd.s32 $0x1, v16  }
.Ltmp5:
0x60: {  	v10 =	vadd.s32 v7, v11;
	v20 =	vxor.u32 v16, v19;
	v23 =	vxor.u32 v13, v18;
	(pc) =	sbr.rel @p1 .LBB2_5-.Ltmp5, $4  }
0x61: {  	v14 =	vadd.s32 v6, v17;
	v12 =	vadd.s32 $0x30025795, v9;
	v8 =	vxor.u32 v9, v20  }
0x62: {  	v21 =	vadd.s32 v16, v14;
	v22 =	vxor.u32 v12, v20;
	v8 =	vand.u32 $0x7FFFF, v8  }
0x63: {  	v16 =	vxor.u32 v16, v18;
	v17 =	vadd.s32 v13, v17;
	v18 =	vxor.u32 v23, v12  }
0x64: {  	v24 =	vxor.u32 v9, v16;
	v20 =	vadd.s32 v10, v21;
	v23 =	vxor.u32 v9, v23  }
0x65: {  	v5 =	vand.u32 $0x7FFFF, v24;
	v6 =	vadd.s32 v11, v17  }
0x66: {  	v7 =	vxor.u32 v13, v19;
	v49 =	vadd.s32 v15, v10;
	v23 =	vand.u32 $0x7FFFF, v23  }
0x67: {  	v22 =	vand.u32 $0x7FFFF, v22;
	v50 =	vadd.s32 v11, v15;
	v21 =	vadd.s32 v11, v21  }
0x68: {  	v51 =	vadd.s32 v13, v14;
	v52 =	vadd.s32 v17, v10;
	v53 =	vand.u32 $0x7FFFF, v18  }
0x69: {  	v60 =	vxor.u32 v16, v12;
	v6 =	vpsel p0, v6, v23;
	v5 =	vpsel p0, v50, v5  }
0x6a: {  	v54 =	vadd.s32 v11, v51;
	v55 =	vpsel p0, v20, v22;
	v56 =	vpsel p0, v52, v53  }
0x6b: {  	v57 =	vxor.u32 v12, v7;
	v7 =	vxor.u32 v9, v7;
	v5 =	vadd.s32 v4, v5  }
0x6c: {  	v58 =	vadd.s32 v10, v51;
	v7 =	vand.u32 $0x7FFFF, v7;
	[tilespmem:s22+$0xFFFFFEC0] =	vst v5;
	v5 =	vadd.s32 v4, v55  }
0x6d: {  	v61 =	vand.u32 $0x7FFFF, v60;
	v6 =	vadd.s32 v4, v6;
	[tilespmem:s22+$0xFFFFFFB0] =	vst v5;
	v5 =	vpsel p0, v54, v7  }
0x6e: {  	s23 =	smul.u32 $0x5000, s19;
	s19 =	sadd.s32 $0x1, s19;
	v8 =	vpsel p0, v21, v8;
	v59 =	vand.u32 $0x7FFFF, v57;
	[tilespmem:s22+$0x0] =	vst v6;
	v5 =	vadd.s32 v4, v5  }
0x6f: {  	v63 =	vadd.s32 v4, v8;
	v9 =	vpsel p0, v58, v59;
	[tilespmem:s22+$0xA0] =	vst v5;
	v5 =	vpsel p0, v49, v61;
	p0 =	sne.s32 s19, $0x10  }
.Ltmp6:
0x70: {  	v6 =	vadd.s32 v4, v56;
	[tilespmem:s22+$0xFFFFFF60] =	vst v63;
	(pc) =	sbr.rel @p0 .LBB2_4-.Ltmp6, $4  }
0x71: {  	[tilespmem:s22+$0x50] =	vst v6;
	v62 =	vadd.s32 v4, v9  }
0x72: {  	s23 =	sshra.s32 s23, $0x2;
	[tilespmem:s22+$0xF0] =	vst v62;
	v4 =	vadd.s32 v4, v5  }
0x73: {  	s20 =	sadd.s32 $0x280, s20;
	s31 =	sadd.s32 $0x28F0, s23;
	[tilespmem:s22+$0xFFFFFF10] =	vst v4  }
0x74: {  	[tilespmem:s31], [sflag:$0x1] =	stream.indirect.gather [hbm4b:s5+s11], $0x2, s21, s11, $0xb8;
	[tilespmem:$0x172F0] =	vst v63  }
0x75: {  	_ =	swait.ge [sflag:s12], $0x5000  }
0x76: {  	[sflag:s12] =	ssyncset.done $0x0  }
0x77: {  	s19 =	simm.s32 $0x0;
	s20 =	simm.s32 $0x0;
	[sflag:s12] =	ssyncadd.s32 $0xFFFFB000  }
.LBB2_8:
0x78: {  	s21 =	simm.s32 $0x1  }
0x79: {  	s22 =	simm.s32 $0x2;
	s23 =	simm.s32 $0x0;
	v4 =	vadd.s32 s21, v0  }
0x7a: {  	v5 =	vadd.s32 s22, v0;
	v6 =	vadd.s32 s23, v0  }
0x7b: {  	v6 =	vand.u32 $0x3F8, v6  }
0x7c: {  	v6 =	vor.u32 v1, v6;
	_ =	sdelay $0x1  }
0x7d: {  	v7 =	vld.idx.msk [tilespmem:v4+s1+$0x0], $0xffff  }
0x7e: {  	s31 =	sadd.s32 $0x0, s19;
	v5 =	vld.idx.msk [tilespmem:v5+s1+$0x0], $0xffff  }
0x7f: {  	v8 =	vmov s31  }
0x80: {  	s23 =	sadd.s32 $0x50, s31;
	s25 =	sadd.s32 $0xA0, s31;
	s24 =	sadd.s32 $0xF0, s31;
	v8 =	vshll.u32 v8, $0x3;
	v9 =	vld.idx.msk [tilespmem:v6+s1+$0x0], $0xffff  }
0x81: {  	s26 =	sadd.s32 $0x140, s31;
	v10 =	vmov s23;
	v11 =	vmov s25;
	v13 =	vmov s24  }
0x82: {  	s28 =	sshll.u32 s10, s20;
	v14 =	vmov s26;
	v11 =	vshll.u32 v11, $0x3;
	v7 =	vadd.f32 $1.100000000e+01, v7  }
0x83: {  	s21 =	sadd.s32 $0xFFFFFFFF, s28;
	s28 =	sadd.s32 $0x190, s31;
	v15 =	vor.u32 v2, v8;
	v8 =	vshll.u32 v10, $0x3;
	v5 =	vadd.f32 $1.100000000e+01, v5  }
0x84: {  	s29 =	scvt.s32.f32 s21;
	v10 =	vmov s28;
	v29 =	vshll.u32 v14, $0x3;
	v7 =	vmul.f32 $4.545454680e-02, v7  }
0x85: {  	v16 =	vor.u32 v2, v8;
	v9 =	vadd.f32 $1.100000000e+01, v9;
	v5 =	vmul.f32 $4.545454680e-02, v5  }
0x86: {  	v11 =	vor.u32 v2, v11;
	v6 =	vmov s29;
	v7 =	vmax.f32 v7, $0.0e+00  }
0x87: {  	v8 =	vmul.f32 $4.545454680e-02, v9;
	v5 =	vmax.f32 v5, $0.0e+00;
	v7 =	vmin.f32 v7, $1.000000000e+00  }
0x88: {  	v17 =	vor.u32 $0x1, v15;
	v5 =	vmin.f32 v5, $1.000000000e+00;
	v7 =	vmul.f32 v7, v6  }
0x89: {  	v9 =	vshll.u32 v13, $0x3;
	v8 =	vmax.f32 v8, $0.0e+00;
	v5 =	vmul.f32 v5, v6  }
0x8a: {  	v13 =	vor.u32 $0x1, v16;
	v8 =	vmin.f32 v8, $1.000000000e+00;
	v7 =	vadd.f32 $5.000000000e-01, v7  }
0x8b: {  	s30 =	sshll.u32 s20, $0x1;
	v10 =	vshll.u32 v10, $0x3;
	v8 =	vmul.f32 v8, v6;
	v5 =	vadd.f32 $5.000000000e-01, v5  }
0x8c: {  	v18 =	vor.u32 $0x1, v11;
	v4 =	vmov s30;
	v19 =	vtrunc.f32 v7  }
0x8d: {  	v20 =	vadd.f32 $5.000000000e-01, v8;
	v8 =	vcvt.f32.s32 v19;
	v19 =	vtrunc.f32 v5  }
0x8e: {  	v23 =	vor.u32 v2, v10;
	v12 =	vand.u32 $0x6, v4;
	v19 =	vcvt.f32.s32 v19  }
0x8f: {  	s29 =	sadd.s32 $0x1E0, s31;
	v9 =	vor.u32 v2, v9;
	v24 =	vld.idx.msk [tilespmem:v13+s13+$0x0], $0xffff;
	v13 =	vtrunc.f32 v20;
	v8 =	vcvt.s32.f32 v8  }
0x90: {  	v15 =	vld.idx.msk [tilespmem:v15+s13+$0x0], $0xffff;
	v22 =	vmov s29;
	v10 =	vcvt.f32.s32 v13;
	v13 =	vcvt.s32.f32 v19  }
0x91: {  	v28 =	vld.idx.msk [tilespmem:v18+s13+$0x0], $0xffff;
	v18 =	vor.u32 $0x1, v23;
	v21 =	vor.u32 $0x1, v9;
	v25 =	vsub.f32 v7, v8  }
0x92: {  	s21 =	sadd.s32 $0x230, s31;
	v17 =	vld.idx.msk [tilespmem:v17+s13+$0x0], $0xffff;
	v19 =	vshll.u32 v22, $0x3;
	v7 =	vcvt.s32.f32 v10;
	v5 =	vsub.f32 v5, v13  }
0x93: {  	v27 =	vld.idx.msk [tilespmem:v11+s13+$0x0], $0xffff;
	v11 =	vmov s21;
	v26 =	vor.u32 v2, v19;
	v19 =	vsub.f32 $1.000000000e+00, v25  }
0x94: {  	v10 =	vld.idx.msk [tilespmem:v9+s13+$0x0], $0xffff;
	v9 =	vshll.u32 v11, $0x3;
	v7 =	vsub.f32 v20, v7;
	v11 =	vsub.f32 $1.000000000e+00, v5  }
0x95: {  	v16 =	vld.idx.msk [tilespmem:v16+s13+$0x0], $0xffff;
	v13 =	vor.u32 $0x1, v26;
	v30 =	vor.u32 v2, v9;
	v31 =	vmul.f32 v5, v19  }
0x96: {  	v14 =	vld.idx.msk [tilespmem:v18+s13+$0x0], $0xffff;
	v9 =	vmul.f32 v5, v25;
	v5 =	vsub.f32 $1.000000000e+00, v7;
	v22 =	vmul.f32 v11, v19  }
0x97: {  	v8 =	vld.idx.msk [tilespmem:v21+s13+$0x0], $0xffff;
	v32 =	vor.u32 $0x1, v30;
	v21 =	vmul.f32 v11, v25;
	v20 =	vmul.f32 v31, v7  }
0x98: {  	v25 =	vor.u32 v2, v29;
	v19 =	vld.idx.msk [tilespmem:v23+s13+$0x0], $0xffff;
	v31 =	vmul.f32 v31, v5;
	v29 =	vmul.f32 v22, v5  }
0x99: {  	v18 =	vld.idx.msk [tilespmem:v26+s13+$0x0], $0xffff;
	v33 =	vor.u32 $0x1, v25;
	v23 =	vmul.f32 v9, v5;
	v34 =	vmul.f32 v21, v5  }
0x9a: {  	s22 =	simm.s32 $0x32;
	v5 =	vor.u32 $0x1, v12;
	v12 =	vld.idx.msk [tilespmem:v30+s13+$0x0], $0xffff;
	v30 =	vmul.f32 v31, v16;
	v35 =	vmul.f32 v29, v15  }
0x9b: {  	s30 =	simm.s32 $0x30;
	s31 =	simm.s32 $0x31;
	v11 =	vld.idx.msk [tilespmem:v13+s13+$0x0], $0xffff;
	v13 =	vadd.s32 s22, v0;
	v26 =	vmul.f32 v31, v24;
	v17 =	vmul.f32 v29, v17  }
0x9c: {  	v16 =	vadd.s32 s31, v0;
	v15 =	vld.idx.msk [tilespmem:v32+s13+$0x0], $0xffff;
	v29 =	vadd.s32 s30, v0;
	v31 =	vadd.f32 $0.0e+00, v35  }
0x9d: {  	v27 =	vmul.f32 v34, v27;
	v24 =	vld.idx.msk [tilespmem:v25+s13+$0x0], $0xffff;
	v63 =	vand.u32 $0x3F8, v29;
	v29 =	vadd.f32 $0.0e+00, v17  }
0x9e: {  	s24 =	simm.s32 $0x20;
	s23 =	simm.s32 $0x0;
	s21 =	simm.s32 $0x10;
	v28 =	vmul.f32 v34, v28;
	v25 =	vld.idx.msk [tilespmem:v33+s13+$0x0], $0xffff;
	v17 =	vor.u32 v1, v63;
	v30 =	vadd.f32 v31, v30  }
.LBB2_9:
0x9f: {  	p0 =	sne.s32 s24, $0x40;
	v26 =	vadd.f32 v29, v26;
	v10 =	vmul.f32 v23, v10;
	v8 =	vmul.f32 v23, v8;
	s25 =	smov.u32 s24;
	s24 =	sadd.s32 $0x10, s24  }
0xa0: {  	v22 =	vmul.f32 v22, v7;
	v19 =	vmul.f32 v19, v20;
	v23 =	vadd.f32 v30, v27  }
0xa1: {  	v14 =	vmul.f32 v14, v20;
	v20 =	vmul.f32 v21, v7;
	v26 =	vadd.f32 v26, v28  }
0xa2: {  	v21 =	vmul.f32 v22, v24;
	v10 =	vadd.f32 v23, v10;
	v23 =	vmov s23;
	s23 =	smov.u32 s21;
	s21 =	smov.u32 s25  }
0xa3: {  	v18 =	vmul.f32 v18, v20;
	v22 =	vmul.f32 v22, v25;
	v8 =	vadd.f32 v26, v8  }
0xa4: {  	v11 =	vmul.f32 v11, v20;
	v20 =	vshll.u32 v23, $0x5;
	v10 =	vadd.f32 v10, v21  }
0xa5: {  	v20 =	vor.u32 v3, v20;
	v8 =	vadd.f32 v8, v22  }
0xa6: {  	v7 =	vmul.f32 v9, v7;
	v9 =	vadd.s32 v4, v20;
	v10 =	vadd.f32 v10, v19  }
0xa7: {  	v8 =	vadd.f32 v8, v14;
	v14 =	vand.u32 $0x7FFFFFF8, v9  }
0xa8: {  	v12 =	vmul.f32 v12, v7;
	v10 =	vadd.f32 v10, v18;
	v14 =	vor.u32 v14, v5  }
0xa9: {  	v7 =	vmul.f32 v15, v7;
	v8 =	vadd.f32 v8, v11  }
0xaa: {  	v10 =	vadd.f32 v10, v12  }
0xab: {  	v7 =	vadd.f32 v8, v7  }
0xac: {  	[tilespmem:v9+s14+$0x0] =	vst.idx.msk $0xffff, v10  }
0xad: {  	[tilespmem:v14+s14+$0x0] =	vst.idx.msk $0xffff, v7  }
0xae: {  	s25 =	sadd.s32 s23, s19;
	v7 =	vld.idx.msk [tilespmem:v16+s1+$0x0], $0xffff  }
0xaf: {  	s26 =	sadd.s32 $0x50, s25;
	s28 =	sadd.s32 $0xA0, s25;
	s29 =	sadd.s32 $0xF0, s25;
	v9 =	vmov s25;
	v8 =	vld.idx.msk [tilespmem:v13+s1+$0x0], $0xffff  }
0xb0: {  	s30 =	sadd.s32 $0x1E0, s25;
	v11 =	vmov s28;
	s28 =	sadd.s32 $0x190, s25;
	v10 =	vmov s26;
	s26 =	sadd.s32 $0x140, s25;
	v9 =	vshll.u32 v9, $0x3  }
0xb1: {  	v11 =	vshll.u32 v11, $0x3;
	s25 =	sadd.s32 $0x230, s25;
	v14 =	vmov s26;
	v13 =	vmov s29;
	v12 =	vld.idx.msk [tilespmem:v17+s1+$0x0], $0xffff  }
0xb2: {  	v15 =	vmov s28;
	v10 =	vshll.u32 v10, $0x3;
	v9 =	vor.u32 v2, v9  }
0xb3: {  	v16 =	vor.u32 v2, v10;
	v10 =	vshll.u32 v13, $0x3;
	v13 =	vshll.u32 v15, $0x3  }
0xb4: {  	v11 =	vor.u32 v2, v11;
	v15 =	vor.u32 $0x1, v16;
	v7 =	vadd.f32 $1.100000000e+01, v7  }
0xb5: {  	v18 =	vmov s30;
	v17 =	vor.u32 $0x1, v9;
	v8 =	vadd.f32 $1.100000000e+01, v8  }
0xb6: {  	v19 =	vor.u32 $0x1, v11;
	v10 =	vor.u32 v2, v10;
	v7 =	vmul.f32 $4.545454680e-02, v7  }
0xb7: {  	v14 =	vshll.u32 v14, $0x3;
	v12 =	vadd.f32 $1.100000000e+01, v12;
	v8 =	vmul.f32 $4.545454680e-02, v8  }
0xb8: {  	v18 =	vshll.u32 v18, $0x3;
	v20 =	vor.u32 $0x1, v10;
	v7 =	vmax.f32 v7, $0.0e+00  }
0xb9: {  	v12 =	vmul.f32 $4.545454680e-02, v12;
	v7 =	vmin.f32 v7, $1.000000000e+00;
	v8 =	vmax.f32 v8, $0.0e+00;
	v24 =	vld.idx.msk [tilespmem:v15+s13+$0x0], $0xffff  }
0xba: {  	v7 =	vmul.f32 v7, v6;
	v8 =	vmin.f32 v8, $1.000000000e+00;
	v15 =	vmov s25;
	v17 =	vld.idx.msk [tilespmem:v17+s13+$0x0], $0xffff  }
0xbb: {  	v13 =	vor.u32 v2, v13;
	v12 =	vmax.f32 v12, $0.0e+00;
	v8 =	vmul.f32 v8, v6;
	v28 =	vld.idx.msk [tilespmem:v19+s13+$0x0], $0xffff  }
0xbc: {  	v12 =	vmin.f32 v12, $1.000000000e+00;
	v7 =	vadd.f32 $5.000000000e-01, v7;
	v25 =	vld.idx.msk [tilespmem:v11+s13+$0x0], $0xffff;
	v11 =	vor.u32 $0x1, v13  }
0xbd: {  	v18 =	vor.u32 v2, v18;
	v12 =	vmul.f32 v12, v6;
	v21 =	vadd.f32 $5.000000000e-01, v8;
	v8 =	vld.idx.msk [tilespmem:v20+s13+$0x0], $0xffff  }
0xbe: {  	v15 =	vshll.u32 v15, $0x3;
	v19 =	vtrunc.f32 v7;
	v20 =	vor.u32 $0x1, v18;
	v10 =	vld.idx.msk [tilespmem:v10+s13+$0x0], $0xffff  }
0xbf: {  	v12 =	vadd.f32 $5.000000000e-01, v12;
	v19 =	vcvt.f32.s32 v19;
	v22 =	vtrunc.f32 v21  }
0xc0: {  	v27 =	vor.u32 v2, v14;
	v22 =	vcvt.f32.s32 v22;
	v16 =	vld.idx.msk [tilespmem:v16+s13+$0x0], $0xffff  }
0xc1: {  	v15 =	vor.u32 v2, v15;
	v23 =	vtrunc.f32 v12;
	v26 =	vcvt.s32.f32 v19;
	v14 =	vld.idx.msk [tilespmem:v11+s13+$0x0], $0xffff  }
0xc2: {  	v23 =	vcvt.f32.s32 v23;
	v22 =	vcvt.s32.f32 v22;
	v19 =	vld.idx.msk [tilespmem:v13+s13+$0x0], $0xffff;
	v13 =	vor.u32 $0x1, v15  }
0xc3: {  	v30 =	vor.u32 $0x1, v27;
	v26 =	vsub.f32 v7, v26;
	v11 =	vld.idx.msk [tilespmem:v20+s13+$0x0], $0xffff  }
0xc4: {  	v7 =	vcvt.s32.f32 v23;
	v20 =	vsub.f32 v21, v22;
	v18 =	vld.idx.msk [tilespmem:v18+s13+$0x0], $0xffff  }
0xc5: {  	v21 =	vsub.f32 $1.000000000e+00, v26;
	v29 =	vld.idx.msk [tilespmem:v9+s13+$0x0], $0xffff  }
0xc6: {  	v7 =	vsub.f32 v12, v7;
	v23 =	vsub.f32 $1.000000000e+00, v20;
	v9 =	vmul.f32 v20, v26;
	v12 =	vld.idx.msk [tilespmem:v15+s13+$0x0], $0xffff  }
0xc7: {  	v31 =	vmul.f32 v20, v21;
	v15 =	vld.idx.msk [tilespmem:v13+s13+$0x0], $0xffff  }
0xc8: {  	v13 =	vsub.f32 $1.000000000e+00, v7;
	v22 =	vmul.f32 v23, v21;
	v21 =	vmul.f32 v23, v26  }
0xc9: {  	v20 =	vmul.f32 v31, v7  }
0xca: {  	v26 =	vmul.f32 v22, v13;
	v31 =	vmul.f32 v31, v13  }
0xcb: {  	v32 =	vmul.f32 v21, v13;
	v23 =	vmul.f32 v9, v13  }
.Ltmp7:
0xcc: {  	s22 =	sadd.s32 $0x30, s22;
	v29 =	vmul.f32 v26, v29;
	v17 =	vmul.f32 v26, v17;
	(pc) =	sbr.rel @p0 .LBB2_9-.Ltmp7, $4  }
0xcd: {  	s26 =	sadd.s32 $0xFFFFFFFF, s22;
	s25 =	sadd.s32 $0xFFFFFFFE, s22;
	v13 =	vadd.s32 s22, v0;
	v33 =	vmul.f32 v31, v16;
	v26 =	vmul.f32 v31, v24  }
0xce: {  	v31 =	vadd.s32 s25, v0;
	v16 =	vadd.s32 s26, v0;
	v34 =	vadd.f32 $0.0e+00, v29;
	v24 =	vld.idx.msk [tilespmem:v27+s13+$0x0], $0xffff  }
0xcf: {  	v31 =	vand.u32 $0x3F8, v31;
	v29 =	vadd.f32 $0.0e+00, v17;
	v27 =	vmul.f32 v32, v25;
	v25 =	vld.idx.msk [tilespmem:v30+s13+$0x0], $0xffff  }
0xd0: {  	v28 =	vmul.f32 v32, v28;
	v17 =	vor.u32 v1, v31;
	v30 =	vadd.f32 v34, v33  }
0xd1: {  	v26 =	vadd.f32 v29, v26  }
0xd2: {  	v10 =	vmul.f32 v23, v10;
	v22 =	vmul.f32 v22, v7;
	v27 =	vadd.f32 v30, v27  }
0xd3: {  	v8 =	vmul.f32 v23, v8;
	v19 =	vmul.f32 v19, v20;
	v52 =	vadd.f32 v26, v28  }
0xd4: {  	v21 =	vmul.f32 v21, v7;
	v24 =	vmul.f32 v22, v24;
	v10 =	vadd.f32 v27, v10  }
0xd5: {  	v53 =	vmov s23;
	v22 =	vmul.f32 v22, v25;
	v8 =	vadd.f32 v52, v8  }
0xd6: {  	v14 =	vmul.f32 v14, v20;
	v54 =	vshll.u32 v53, $0x5;
	v10 =	vadd.f32 v10, v24  }
0xd7: {  	v55 =	vmul.f32 v9, v7;
	v20 =	vor.u32 v3, v54;
	v8 =	vadd.f32 v8, v22  }
0xd8: {  	v18 =	vmul.f32 v18, v21;
	v56 =	vadd.s32 v4, v20;
	v10 =	vadd.f32 v10, v19  }
0xd9: {  	v11 =	vmul.f32 v11, v21;
	v57 =	vand.u32 $0x7FFFFFF8, v56;
	v8 =	vadd.f32 v8, v14  }
0xda: {  	v12 =	vmul.f32 v12, v55;
	v14 =	vor.u32 v57, v5;
	v10 =	vadd.f32 v10, v18  }
0xdb: {  	v7 =	vmul.f32 v15, v55;
	v8 =	vadd.f32 v8, v11  }
0xdc: {  	v10 =	vadd.f32 v10, v12  }
0xdd: {  	v7 =	vadd.f32 v8, v7  }
0xde: {  	[tilespmem:v56+s14+$0x0] =	vst.idx.msk $0xffff, v10  }
0xdf: {  	[tilespmem:v14+s14+$0x0] =	vst.idx.msk $0xffff, v7  }
0xe0: {  	v7 =	vld.idx.msk [tilespmem:v16+s1+$0x0], $0xffff  }
0xe1: {  	v58 =	vld.idx.msk [tilespmem:v13+s1+$0x0], $0xffff  }
0xe2: {  	v9 =	vld.idx.msk [tilespmem:v17+s1+$0x0], $0xffff;
	_ =	sdelay $0x3  }
0xe3: {  	v7 =	vadd.f32 $1.100000000e+01, v7  }
0xe4: {  	v8 =	vadd.f32 $1.100000000e+01, v58;
	v9 =	vadd.f32 $1.100000000e+01, v9  }
0xe5: {  	s22 =	sadd.s32 s21, s19;
	v7 =	vmul.f32 $4.545454680e-02, v7  }
0xe6: {  	s26 =	sadd.s32 $0x50, s22;
	v8 =	vmul.f32 $4.545454680e-02, v8;
	v9 =	vmul.f32 $4.545454680e-02, v9  }
0xe7: {  	v59 =	vmov s22;
	v60 =	vmov s26;
	v7 =	vmax.f32 v7, $0.0e+00  }
0xe8: {  	v8 =	vmax.f32 v8, $0.0e+00;
	v9 =	vmax.f32 v9, $0.0e+00;
	v7 =	vmin.f32 v7, $1.000000000e+00  }
0xe9: {  	s28 =	sadd.s32 $0xA0, s22;
	v8 =	vmin.f32 v8, $1.000000000e+00;
	v9 =	vmin.f32 v9, $1.000000000e+00;
	v7 =	vmul.f32 v7, v6  }
0xea: {  	s29 =	sadd.s32 $0xF0, s22;
	s24 =	sadd.s32 $0x140, s22;
	v61 =	vmov s28;
	v8 =	vmul.f32 v8, v6;
	v23 =	vmul.f32 v9, v6  }
0xeb: {  	s30 =	sadd.s32 $0x190, s22;
	v62 =	vmov s29;
	v63 =	vmov s24;
	v7 =	vadd.f32 $5.000000000e-01, v7  }
0xec: {  	s31 =	sadd.s32 $0x1E0, s22;
	s22 =	sadd.s32 $0x230, s22;
	v28 =	vmov s30;
	v8 =	vadd.f32 $5.000000000e-01, v8;
	v6 =	vadd.f32 $5.000000000e-01, v23  }
0xed: {  	v34 =	vmov s31;
	v41 =	vmov s22;
	v26 =	vtrunc.f32 v7  }
0xee: {  	v25 =	vshll.u32 v60, $0x3;
	v27 =	vtrunc.f32 v8;
	v30 =	vtrunc.f32 v6  }
0xef: {  	v12 =	vshll.u32 v61, $0x3;
	v11 =	vcvt.f32.s32 v26;
	v15 =	vcvt.f32.s32 v27  }
0xf0: {  	v32 =	vor.u32 v2, v12;
	v10 =	vshll.u32 v59, $0x3;
	v18 =	vcvt.f32.s32 v30  }
0xf1: {  	v24 =	vor.u32 v2, v10;
	v11 =	vcvt.s32.f32 v11;
	v15 =	vcvt.s32.f32 v15  }
0xf2: {  	v35 =	vor.u32 $0x1, v32;
	v31 =	vor.u32 $0x1, v24;
	v33 =	vcvt.s32.f32 v18  }
0xf3: {  	v10 =	vor.u32 v2, v25;
	v7 =	vsub.f32 v7, v11;
	v8 =	vsub.f32 v8, v15  }
0xf4: {  	v56 =	vmov s21;
	v29 =	vor.u32 $0x1, v10;
	v6 =	vsub.f32 v6, v33  }
0xf5: {  	v14 =	vshll.u32 v63, $0x3;
	v36 =	vsub.f32 $1.000000000e+00, v7;
	v37 =	vsub.f32 $1.000000000e+00, v8  }
0xf6: {  	v13 =	vshll.u32 v62, $0x3;
	v16 =	vshll.u32 v28, $0x3;
	v14 =	vor.u32 v2, v14;
	v9 =	vld.idx.msk [tilespmem:v24+s13+$0x0], $0xffff  }
0xf7: {  	v13 =	vor.u32 v2, v13;
	v19 =	vld.idx.msk [tilespmem:v31+s13+$0x0], $0xffff;
	v39 =	vsub.f32 $1.000000000e+00, v6;
	v40 =	vmul.f32 v37, v36  }
0xf8: {  	v16 =	vor.u32 v2, v16;
	v45 =	vor.u32 $0x1, v14;
	v38 =	vor.u32 $0x1, v13;
	v10 =	vld.idx.msk [tilespmem:v10+s13+$0x0], $0xffff  }
0xf9: {  	v17 =	vld.idx.msk [tilespmem:v29+s13+$0x0], $0xffff;
	v24 =	vshll.u32 v41, $0x3;
	v20 =	vmul.f32 v8, v36;
	v43 =	vmul.f32 v40, v39  }
0xfa: {  	v42 =	vor.u32 $0x1, v16;
	v24 =	vor.u32 v2, v24;
	v11 =	vld.idx.msk [tilespmem:v32+s13+$0x0], $0xffff;
	v12 =	vmul.f32 v37, v7  }
0xfb: {  	v18 =	vld.idx.msk [tilespmem:v35+s13+$0x0], $0xffff;
	v15 =	vshll.u32 v34, $0x3;
	v46 =	vmul.f32 v20, v39;
	v9 =	vmul.f32 v43, v9  }
0xfc: {  	v13 =	vld.idx.msk [tilespmem:v13+s13+$0x0], $0xffff;
	v15 =	vor.u32 v2, v15;
	v7 =	vmul.f32 v8, v7;
	v47 =	vmul.f32 v43, v19  }
0xfd: {  	v21 =	vld.idx.msk [tilespmem:v38+s13+$0x0], $0xffff;
	v48 =	vmul.f32 v12, v39;
	v10 =	vmul.f32 v46, v10;
	v9 =	vadd.f32 $0.0e+00, v9  }
0xfe: {  	v14 =	vld.idx.msk [tilespmem:v14+s13+$0x0], $0xffff;
	v44 =	vor.u32 $0x1, v15;
	v17 =	vmul.f32 v46, v17;
	v8 =	vadd.f32 $0.0e+00, v47  }
0xff: {  	v28 =	vld.idx.msk [tilespmem:v45+s13+$0x0], $0xffff;
	v22 =	vmul.f32 v7, v39;
	v11 =	vmul.f32 v48, v11;
	v9 =	vadd.f32 v9, v10  }
0x100: {  	v16 =	vld.idx.msk [tilespmem:v16+s13+$0x0], $0xffff;
	v49 =	vor.u32 $0x1, v24;
	v18 =	vmul.f32 v48, v18;
	v8 =	vadd.f32 v8, v17  }
0x101: {  	v50 =	vld.idx.msk [tilespmem:v42+s13+$0x0], $0xffff;
	v51 =	vmul.f32 v40, v6;
	v13 =	vmul.f32 v22, v13;
	v9 =	vadd.f32 v9, v11  }
0x102: {  	v58 =	vshll.u32 v56, $0x5;
	v15 =	vld.idx.msk [tilespmem:v15+s13+$0x0], $0xffff;
	v52 =	vmul.f32 v22, v21;
	v8 =	vadd.f32 v8, v18  }
0x103: {  	v20 =	vmul.f32 v20, v6;
	v53 =	vld.idx.msk [tilespmem:v44+s13+$0x0], $0xffff;
	v54 =	vmul.f32 v51, v14;
	v9 =	vadd.f32 v9, v13  }
0x104: {  	v59 =	vor.u32 v3, v58;
	v55 =	vld.idx.msk [tilespmem:v24+s13+$0x0], $0xffff;
	v11 =	vmul.f32 v51, v28;
	v8 =	vadd.f32 v8, v52  }
0x105: {  	v57 =	vld.idx.msk [tilespmem:v49+s13+$0x0], $0xffff;
	v12 =	vmul.f32 v12, v6;
	v16 =	vmul.f32 v16, v20;
	v9 =	vadd.f32 v9, v54  }
0x106: {  	v4 =	vadd.s32 v4, v59;
	v10 =	vmul.f32 v50, v20;
	v8 =	vadd.f32 v8, v11  }
0x107: {  	v6 =	vmul.f32 v7, v6;
	v15 =	vmul.f32 v15, v12;
	v9 =	vadd.f32 v9, v16  }
0x108: {  	s20 =	sadd.s32 $0x1, s20;
	v61 =	vand.u32 $0x7FFFFFF8, v4;
	v60 =	vmul.f32 v53, v12;
	v8 =	vadd.f32 v8, v10  }
0x109: {  	p0 =	sne.s32 s20, $0x10;
	v5 =	vor.u32 v61, v5;
	v62 =	vmul.f32 v55, v6;
	v9 =	vadd.f32 v9, v15  }
.Ltmp8:
0x10a: {  	v6 =	vmul.f32 v57, v6;
	v7 =	vadd.f32 v8, v60;
	(pc) =	sbr.rel @p0 .LBB2_8-.Ltmp8, $4  }
0x10b: {  	v63 =	vadd.f32 v9, v62  }
0x10c: {  	v6 =	vadd.f32 v7, v6  }
0x10d: {  	[tilespmem:v4+s14+$0x0] =	vst.idx.msk $0xffff, v63  }
0x10e: {  	s19 =	sadd.s32 $0x280, s19;
	[tilespmem:v5+s14+$0x0] =	vst.idx.msk $0xffff, v6  }
0x10f: {  	s18 =	smul.u32 $0x140, s18;
	_ =	sdelay $0x1  }
.Ltmp9:
0x110: {  	s18 =	sadd.s32 s6, s18;
	(pc) =	sbr.rel .LBB2_12-.Ltmp9, $4  }
0x111: {  	[hbm4b:s18+s1] =	stream.linear.scatter [tilespmem:s14], [sflag:$0x2], $0xA00, $0x38;
	[tilespmem:$0x172F0] =	vst v63  }
0x112: {  	_ =	swait.ge [sflag:s15], $0xA00  }
0x113: {  	[sflag:s15] =	ssyncset.done $0x0  }
0x114: {  	[sflag:s15] =	ssyncadd.s32 $0xFFFFF600  }
.LBB2_14:
0x115: {  	_ =	sfence.sel $0x180000  }
0x116: {  	[bflag:$0x0] =	sbarrier.arrive $0xFFFF  }
0x117: {  	p0 =	sne.s32 s3, $0x0;
	_ =	strace $0x90000047  }
0x118: {  	s0 =	sadd.s32 @!p0 $0x100000, s0;
	[bflag:$0x2] =	sbarrier.arrive $0xFFFF  }
0x119: {  	[sflag:s0] =	ssyncadd.tile.s32 @!p0 $0x1;
	_ =	shalt  }
.Lfunc_end2:
_tile_overlayer_lowered:
.L_overlay_start_2:
0x11a: {  	(tag) =	ssettag $0x2  }
0x11b: {  	s0 =	rddreg [dreg:$0x0];
	s2 =	stileid.u32  }
0x11c: {  	s1 =	rddreg [dreg:$0x1];
	p0 =	sne.s32 s2, $0x0  }
0x11d: {  	s3 =	rddreg [dreg:$0x2];
	[bflag:$0x3] =	sbarrier.arrive $0xFFFF;
	s2 =	simm.s32 @!p0 $0x1C02  }
0x11e: {  	[timem:s3], [sflag:s2] =	dma.local @!p0 [hbm:s0], s1  }
0x11f: {  	s0 =	simm.s32 @!p0 $0x2  }
0x120: {  	_ =	swait.ge @!p0 [sflag:s0], s1  }
0x121: {  	s1 =	ssub.s32 @!p0 $0x0, s1;
	[sflag:s0] =	ssyncset.done @!p0 $0x0  }
0x122: {  	[sflag:s0] =	ssyncadd.s32 @!p0 s1  }
0x123: {  	[bflag:$0x3] =	sbarrier.arrive $0xFFFF  }
0x124: {  	_ =	shalt  }

</sc_bundles>
